<compile_context>
chip_gen: v7x
topology: tpu7x:2x2x1
jax: 0.10.2.dev20260603
libtpu: 0.0.44.dev20260713+nightly
codegen_flags: <defaults>
</compile_context>

<pallas_src>
import functools

import jax
import jax.numpy as jnp
from jax import lax
from jax.experimental import pallas as pl
from jax.experimental.pallas import tpu as pltpu
from jax.experimental.pallas import tpu_sc as plsc

E = 320000
D = 128
NC = 2
NS = 16
NW = NC * NS
ROWS_PER_W = E // NW
CB = 400
NCHUNK = ROWS_PER_W // CB

_mesh = plsc.VectorSubcoreMesh(core_axis_name="c", subcore_axis_name="s")


@functools.partial(
    pl.kernel,
    out_type=jax.ShapeDtypeStruct((E, D), jnp.float32),
    mesh=_mesh,
    scratch_types=[
        pltpu.VMEM((5, D), jnp.float32),
        pltpu.VMEM((6, D), jnp.float32),
        pltpu.VMEM((2, D), jnp.float32),
        pltpu.VMEM((8, D), jnp.float32),
        pltpu.VMEM_SHARED((64, D), jnp.float32),
        pltpu.VMEM((CB,), jnp.int32),
        pltpu.VMEM((CB,), jnp.int32),
        pltpu.VMEM((CB,), jnp.int32),
        pltpu.VMEM((CB,), jnp.int32),
        pltpu.VMEM((CB,), jnp.int32),
        pltpu.VMEM((CB,), jnp.int32),
        pltpu.VMEM((CB,), jnp.int32),
        pltpu.VMEM((CB,), jnp.int32),
        pltpu.VMEM((2, CB, D), jnp.float32),
        pltpu.SemaphoreType.DMA,
        pltpu.SemaphoreType.DMA,
        pltpu.SemaphoreType.DMA,
        pltpu.SemaphoreType.DMA,
        pltpu.SemaphoreType.DMA,
        pltpu.SemaphoreType.DMA,
        pltpu.SemaphoreType.DMA,
    ],
)
def _bond_encoder_sc(a0_hbm, a1_hbm, a2_hbm, w0_hbm, w1_hbm, w2_hbm, out_hbm,
                     w0_v, w1_v, w2_v, combo_v, combo_sh,
                     a00, a01, a10, a11, a20, a21, idx_a, idx_b, out_v,
                     si0, si1, so0, so1, sg0, sg1, sw):
    sid = lax.axis_index("s")
    wid = sid * NC + lax.axis_index("c")
    base = wid * ROWS_PER_W
    cols = ((a0_hbm, (a00, a01)), (a1_hbm, (a10, a11)), (a2_hbm, (a20, a21)))
    idxs = (idx_a, idx_b)
    sin = (si0, si1)
    sout = (so0, so1)
    sg = (sg0, sg1)


    def start_in(g, b):
        for hbm, v in cols:
            pltpu.async_copy(hbm.at[pl.ds(base + g * CB, CB)],
                             v[b], sin[b])

    def wait_in(b):
        for hbm, v in cols:
            pltpu.make_async_copy(hbm.at[pl.ds(0, CB)], v[b],
                                  sin[b]).wait()

    def start_out(g, b):
        pltpu.async_copy(out_v.at[b], out_hbm.at[pl.ds(base + g * CB, CB)],
                         sout[b])

    def wait_out(b):
        pltpu.make_async_copy(out_v.at[b], out_hbm.at[pl.ds(0, CB)],
                              sout[b]).wait()

    def comp_idx(b):
        @plsc.parallel_loop(0, CB // 16)
        def _t(t):
            sl = pl.ds(16 * t, 16)
            idxs[b][sl] = (cols[0][1][b][sl] * 12 + cols[1][1][b][sl] * 2
                           + cols[2][1][b][sl])

    GSUB = 80

    def start_gather(b):
        for k in range(CB // GSUB):
            pltpu.async_copy(combo_sh.at[idxs[b].at[pl.ds(k * GSUB, GSUB)]],
                             out_v.at[b, pl.ds(k * GSUB, GSUB)], sg[b])

    def wait_gather(b):
        for k in range(CB // GSUB):
            pltpu.make_async_copy(combo_sh.at[idxs[b].at[pl.ds(0, GSUB)]],
                                  out_v.at[b, pl.ds(0, GSUB)], sg[b]).wait()

    start_in(0, 0)
    start_in(1, 1)

    @pl.when(sid < 8)
    def _build():
        pltpu.async_copy(w0_hbm, w0_v, sw)
        pltpu.async_copy(w1_hbm, w1_v, sw)
        pltpu.async_copy(w2_hbm, w2_v, sw)
        pltpu.make_async_copy(w0_hbm, w0_v, sw).wait()
        pltpu.make_async_copy(w1_hbm, w1_v, sw).wait()
        pltpu.make_async_copy(w2_hbm, w2_v, sw).wait()

        def build_combo(r, _):
            c = jnp.minimum(8 * sid + r, 59)
            i = c // 12
            rr = c - i * 12
            j = rr // 2
            k = rr - j * 2
            for v in range(8):
                sl = pl.ds(16 * v, 16)
                combo_v[r, sl] = w0_v[i, sl] + w1_v[j, sl] + w2_v[k, sl]
            return _

        lax.fori_loop(0, 8, build_combo, None)
        pltpu.sync_copy(combo_v, combo_sh.at[pl.ds(8 * sid, 8)])

    wait_in(0)
    comp_idx(0)
    plsc.subcore_barrier()
    start_gather(0)

    def pair_body(p, _):
        wait_in(1)
        comp_idx(1)

        @pl.when(p >= 1)
        def _():
            wait_out(1)

        start_gather(1)
        wait_gather(0)
        start_out(2 * p, 0)
        start_in(2 * p + 2, 0)

        wait_in(0)
        comp_idx(0)
        wait_out(0)
        start_gather(0)
        wait_gather(1)
        start_out(2 * p + 1, 1)

        @pl.when(p < 11)
        def _():
            start_in(2 * p + 3, 1)
        return _

    lax.fori_loop(0, (NCHUNK - 1) // 2, pair_body, None)

    wait_gather(0)
    start_out(NCHUNK - 1, 0)
    wait_out(1)
    wait_out(0)


def kernel(edge_attr, W0, W1, W2):
    ea = edge_attr.astype(jnp.int32)
    return _bond_encoder_sc(ea[:, 0], ea[:, 1], ea[:, 2], W0, W1, W2)

# --- scband reference (transcript-rebuilt; emitter-appended) ---
"""Pipeline reference for scband-bond-encoder-40261023432939 (READ-ONLY COPY).

The authoritative reference and input builder live on the scoring server;
editing this copy changes nothing except your own understanding.
"""

import jax, jax.numpy as jnp
import numpy as np

E = 320000
EMB_DIM = 128
FULL_BOND_FEATURE_DIMS = [5, 6, 2]

def _xavier_uniform(key, shape):
    fan_in, fan_out = shape[0], shape[1]
    a = float(np.sqrt(6.0 / (fan_in + fan_out)))
    return jax.random.uniform(key, shape, dtype=jnp.float32, minval=-a, maxval=a)

def setup_inputs(seed: int = 0) -> dict:
    key = jax.random.key(seed)
    k_idx, k0, k1, k2 = jax.random.split(key, 4)
    # edge_attr values drawn in [0, 2) so they are in-range for every table (min dim = 2)
    edge_attr = jax.random.randint(k_idx, (E, len(FULL_BOND_FEATURE_DIMS)), 0, 2, dtype=jnp.int64)
    W0 = _xavier_uniform(k0, (FULL_BOND_FEATURE_DIMS[0], EMB_DIM))
    W1 = _xavier_uniform(k1, (FULL_BOND_FEATURE_DIMS[1], EMB_DIM))
    W2 = _xavier_uniform(k2, (FULL_BOND_FEATURE_DIMS[2], EMB_DIM))
    return {"edge_attr": edge_attr, "W0": W0, "W1": W1, "W2": W2}

def reference(edge_attr, W0, W1, W2):
    # BondEncoder.forward: sum of per-feature embedding lookups
    bond_embedding = jnp.take(W0, edge_attr[:, 0], axis=0)
    bond_embedding = bond_embedding + jnp.take(W1, edge_attr[:, 1], axis=0)
    bond_embedding = bond_embedding + jnp.take(W2, edge_attr[:, 2], axis=0)
    return bond_embedding

if __name__ == "__main__":
    import jax
    _d = setup_inputs()
    print(jax.jit(kernel)(*tuple(_d.values())))

</pallas_src>

<mosaic_0001>
#map = affine_map<(d0, d1) -> (0)>
#map1 = affine_map<(d0, d1) -> (0, 0)>
module attributes {stable_mosaic.version = 14 : i64} {
  func.func @_bond_encoder_sc(%arg0: i32, %arg1: i32, %arg2: memref<320000xi32, #tpu.memory_space<hbm>>, %arg3: memref<320000xi32, #tpu.memory_space<hbm>>, %arg4: memref<320000xi32, #tpu.memory_space<hbm>>, %arg5: memref<5x128xf32, #tpu.memory_space<hbm>>, %arg6: memref<6x128xf32, #tpu.memory_space<hbm>>, %arg7: memref<2x128xf32, #tpu.memory_space<hbm>>, %arg8: memref<320000x128xf32, #tpu.memory_space<hbm>>, %arg9: memref<5x128xf32, #tpu.memory_space<vmem>>, %arg10: memref<6x128xf32, #tpu.memory_space<vmem>>, %arg11: memref<2x128xf32, #tpu.memory_space<vmem>>, %arg12: memref<8x128xf32, #tpu.memory_space<vmem>>, %arg13: memref<64x128xf32, #tpu.memory_space<vmem_shared>>, %arg14: memref<400xi32, #tpu.memory_space<vmem>>, %arg15: memref<400xi32, #tpu.memory_space<vmem>>, %arg16: memref<400xi32, #tpu.memory_space<vmem>>, %arg17: memref<400xi32, #tpu.memory_space<vmem>>, %arg18: memref<400xi32, #tpu.memory_space<vmem>>, %arg19: memref<400xi32, #tpu.memory_space<vmem>>, %arg20: memref<400xi32, #tpu.memory_space<vmem>>, %arg21: memref<400xi32, #tpu.memory_space<vmem>>, %arg22: memref<2x400x128xf32, #tpu.memory_space<vmem>>, %arg23: memref<!tpu.dma_semaphore, #tpu.memory_space<semaphore_mem>>, %arg24: memref<!tpu.dma_semaphore, #tpu.memory_space<semaphore_mem>>, %arg25: memref<!tpu.dma_semaphore, #tpu.memory_space<semaphore_mem>>, %arg26: memref<!tpu.dma_semaphore, #tpu.memory_space<semaphore_mem>>, %arg27: memref<!tpu.dma_semaphore, #tpu.memory_space<semaphore_mem>>, %arg28: memref<!tpu.dma_semaphore, #tpu.memory_space<semaphore_mem>>, %arg29: memref<!tpu.dma_semaphore, #tpu.memory_space<semaphore_mem>>) attributes {dimension_semantics = [#tpu.dimension_semantics<core_parallel>, #tpu.dimension_semantics<subcore_parallel>], iteration_bounds = array<i64: 2, 16>, scalar_prefetch = 0 : i64, scratch_operands = 21 : i64, tpu.core_type = #tpu.core_type<sc_vector_subcore>, window_params = [{transform_indices = #map}, {transform_indices = #map}, {transform_indices = #map}, {transform_indices = #map1}, {transform_indices = #map1}, {transform_indices = #map1}, {transform_indices = #map1}]} {
    %mul3A = arith.constant 2 : i32
    %mul3A_0 = arith.muli %arg1, %mul3A : i32
    %add3A = arith.addi %mul3A_0, %arg0 : i32
    %mul3A_1 = arith.constant 10000 : i32
    %mul3A_2 = arith.muli %add3A, %mul3A_1 : i32
    %add3A_3 = arith.constant 0 : i32
    %add3A_4 = arith.addi %mul3A_2, %add3A_3 : i32
    %dma_start3A = tpu.memref_slice %arg2[%add3A_4] : memref<320000xi32, #tpu.memory_space<hbm>> -> memref<400xi32, #tpu.memory_space<hbm>>
    %dma_start3A_5 = tpu.memref_slice %arg2[%add3A_4] : memref<320000xi32, #tpu.memory_space<hbm>> -> memref<400xi32, #tpu.memory_space<hbm>>
    tpu.enqueue_dma source(%dma_start3A_5 : memref<400xi32, #tpu.memory_space<hbm>>) target(%arg14 : memref<400xi32, #tpu.memory_space<vmem>>) target_semaphore(%arg23 : memref<!tpu.dma_semaphore, #tpu.memory_space<semaphore_mem>>)
    %add3A_6 = arith.constant 0 : i32
    %add3A_7 = arith.addi %mul3A_2, %add3A_6 : i32
    %dma_start3A_8 = tpu.memref_slice %arg3[%add3A_7] : memref<320000xi32, #tpu.memory_space<hbm>> -> memref<400xi32, #tpu.memory_space<hbm>>
    %dma_start3A_9 = tpu.memref_slice %arg3[%add3A_7] : memref<320000xi32, #tpu.memory_space<hbm>> -> memref<400xi32, #tpu.memory_space<hbm>>
    tpu.enqueue_dma source(%dma_start3A_9 : memref<400xi32, #tpu.memory_space<hbm>>) target(%arg16 : memref<400xi32, #tpu.memory_space<vmem>>) target_semaphore(%arg23 : memref<!tpu.dma_semaphore, #tpu.memory_space<semaphore_mem>>)
    %add3A_10 = arith.constant 0 : i32
    %add3A_11 = arith.addi %mul3A_2, %add3A_10 : i32
    %dma_start3A_12 = tpu.memref_slice %arg4[%add3A_11] : memref<320000xi32, #tpu.memory_space<hbm>> -> memref<400xi32, #tpu.memory_space<hbm>>
    %dma_start3A_13 = tpu.memref_slice %arg4[%add3A_11] : memref<320000xi32, #tpu.memory_space<hbm>> -> memref<400xi32, #tpu.memory_space<hbm>>
    tpu.enqueue_dma source(%dma_start3A_13 : memref<400xi32, #tpu.memory_space<hbm>>) target(%arg18 : memref<400xi32, #tpu.memory_space<vmem>>) target_semaphore(%arg23 : memref<!tpu.dma_semaphore, #tpu.memory_space<semaphore_mem>>)
    %add3A_14 = arith.constant 400 : i32
    %add3A_15 = arith.addi %mul3A_2, %add3A_14 : i32
    %dma_start3A_16 = tpu.memref_slice %arg2[%add3A_15] : memref<320000xi32, #tpu.memory_space<hbm>> -> memref<400xi32, #tpu.memory_space<hbm>>
    %dma_start3A_17 = tpu.memref_slice %arg2[%add3A_15] : memref<320000xi32, #tpu.memory_space<hbm>> -> memref<400xi32, #tpu.memory_space<hbm>>
    tpu.enqueue_dma source(%dma_start3A_17 : memref<400xi32, #tpu.memory_space<hbm>>) target(%arg15 : memref<400xi32, #tpu.memory_space<vmem>>) target_semaphore(%arg24 : memref<!tpu.dma_semaphore, #tpu.memory_space<semaphore_mem>>)
    %add3A_18 = arith.constant 400 : i32
    %add3A_19 = arith.addi %mul3A_2, %add3A_18 : i32
    %dma_start3A_20 = tpu.memref_slice %arg3[%add3A_19] : memref<320000xi32, #tpu.memory_space<hbm>> -> memref<400xi32, #tpu.memory_space<hbm>>
    %dma_start3A_21 = tpu.memref_slice %arg3[%add3A_19] : memref<320000xi32, #tpu.memory_space<hbm>> -> memref<400xi32, #tpu.memory_space<hbm>>
    tpu.enqueue_dma source(%dma_start3A_21 : memref<400xi32, #tpu.memory_space<hbm>>) target(%arg17 : memref<400xi32, #tpu.memory_space<vmem>>) target_semaphore(%arg24 : memref<!tpu.dma_semaphore, #tpu.memory_space<semaphore_mem>>)
    %add3A_22 = arith.constant 400 : i32
    %add3A_23 = arith.addi %mul3A_2, %add3A_22 : i32
    %dma_start3A_24 = tpu.memref_slice %arg4[%add3A_23] : memref<320000xi32, #tpu.memory_space<hbm>> -> memref<400xi32, #tpu.memory_space<hbm>>
    %dma_start3A_25 = tpu.memref_slice %arg4[%add3A_23] : memref<320000xi32, #tpu.memory_space<hbm>> -> memref<400xi32, #tpu.memory_space<hbm>>
    tpu.enqueue_dma source(%dma_start3A_25 : memref<400xi32, #tpu.memory_space<hbm>>) target(%arg19 : memref<400xi32, #tpu.memory_space<vmem>>) target_semaphore(%arg24 : memref<!tpu.dma_semaphore, #tpu.memory_space<semaphore_mem>>)
    %lt3A = arith.constant 8 : i32
    %lt3A_26 = arith.cmpi slt, %arg1, %lt3A : i32
    %convert_element_type3A = arith.extui %lt3A_26 : i1 to i32
    %cond3A = arith.constant 0 : i32
    %cond3A_27 = arith.cmpi ne, %convert_element_type3A, %cond3A : i32
    scf.if %cond3A_27 {
      tpu.enqueue_dma source(%arg5 : memref<5x128xf32, #tpu.memory_space<hbm>>) target(%arg9 : memref<5x128xf32, #tpu.memory_space<vmem>>) target_semaphore(%arg29 : memref<!tpu.dma_semaphore, #tpu.memory_space<semaphore_mem>>)
      tpu.enqueue_dma source(%arg6 : memref<6x128xf32, #tpu.memory_space<hbm>>) target(%arg10 : memref<6x128xf32, #tpu.memory_space<vmem>>) target_semaphore(%arg29 : memref<!tpu.dma_semaphore, #tpu.memory_space<semaphore_mem>>)
      tpu.enqueue_dma source(%arg7 : memref<2x128xf32, #tpu.memory_space<hbm>>) target(%arg11 : memref<2x128xf32, #tpu.memory_space<vmem>>) target_semaphore(%arg29 : memref<!tpu.dma_semaphore, #tpu.memory_space<semaphore_mem>>)
      tpu.wait_dma2 semaphore(%arg29 : memref<!tpu.dma_semaphore, #tpu.memory_space<semaphore_mem>>) src(%arg5 : memref<5x128xf32, #tpu.memory_space<hbm>>) dst(%arg9 : memref<5x128xf32, #tpu.memory_space<vmem>>)
      tpu.wait_dma2 semaphore(%arg29 : memref<!tpu.dma_semaphore, #tpu.memory_space<semaphore_mem>>) src(%arg6 : memref<6x128xf32, #tpu.memory_space<hbm>>) dst(%arg10 : memref<6x128xf32, #tpu.memory_space<vmem>>)
      tpu.wait_dma2 semaphore(%arg29 : memref<!tpu.dma_semaphore, #tpu.memory_space<semaphore_mem>>) src(%arg7 : memref<2x128xf32, #tpu.memory_space<hbm>>) dst(%arg11 : memref<2x128xf32, #tpu.memory_space<vmem>>)
      %scan3A_190 = arith.constant 0 : i32
      %scan3A_191 = arith.constant 8 : i32
      %scan3A_192 = arith.addi %scan3A_190, %scan3A_191 : i32
      %scan3A_193 = arith.constant 1 : i32
      scf.for %scan3A_197 = %scan3A_190 to %scan3A_192 step %scan3A_193  : i32 {
        %mul3A_198 = arith.constant 8 : i32
        %mul3A_199 = arith.muli %mul3A_198, %arg1 : i32
        %add3A_200 = arith.addi %mul3A_199, %scan3A_197 : i32
        %min3A = arith.constant 59 : i32
        %min3A_201 = arith.minsi %add3A_200, %min3A : i32
        %jit3A = arith.constant 12 : i32
        %div3A = arith.divsi %min3A_201, %jit3A : i32
        %sign3A = arith.constant 0 : i32
        %sign3A_202 = arith.cmpi sgt, %min3A_201, %sign3A : i32
        %sign3A_203 = arith.extui %sign3A_202 : i1 to i32
        %sign3A_204 = arith.constant 0 : i32
        %sign3A_205 = arith.cmpi slt, %min3A_201, %sign3A_204 : i32
        %sign3A_206 = arith.extui %sign3A_205 : i1 to i32
        %sign3A_207 = arith.subi %sign3A_203, %sign3A_206 : i32
        %sign3A_208 = arith.constant 0 : i32
        %sign3A_209 = arith.cmpi sgt, %jit3A, %sign3A_208 : i32
        %sign3A_210 = arith.extui %sign3A_209 : i1 to i32
        %sign3A_211 = arith.constant 0 : i32
        %sign3A_212 = arith.cmpi slt, %jit3A, %sign3A_211 : i32
        %sign3A_213 = arith.extui %sign3A_212 : i1 to i32
        %sign3A_214 = arith.subi %sign3A_210, %sign3A_213 : i32
        %ne3A = arith.cmpi ne, %sign3A_207, %sign3A_214 : i32
        %rem3A = arith.remsi %min3A_201, %jit3A : i32
        %ne3A_215 = arith.constant 0 : i32
        %ne3A_216 = arith.cmpi ne, %rem3A, %ne3A_215 : i32
        %and3A = arith.andi %ne3A, %ne3A_216 : i1
        %sub3A = arith.constant 1 : i32
        %sub3A_217 = arith.subi %div3A, %sub3A : i32
        %select_n3A = arith.select %and3A, %sub3A_217, %div3A : i32
        %mul3A_218 = arith.constant 12 : i32
        %mul3A_219 = arith.muli %select_n3A, %mul3A_218 : i32
        %sub3A_220 = arith.subi %min3A_201, %mul3A_219 : i32
        %jit3A_221 = arith.constant 2 : i32
        %div3A_222 = arith.divsi %sub3A_220, %jit3A_221 : i32
        %sign3A_223 = arith.constant 0 : i32
        %sign3A_224 = arith.cmpi sgt, %sub3A_220, %sign3A_223 : i32
        %sign3A_225 = arith.extui %sign3A_224 : i1 to i32
        %sign3A_226 = arith.constant 0 : i32
        %sign3A_227 = arith.cmpi slt, %sub3A_220, %sign3A_226 : i32
        %sign3A_228 = arith.extui %sign3A_227 : i1 to i32
        %sign3A_229 = arith.subi %sign3A_225, %sign3A_228 : i32
        %sign3A_230 = arith.constant 0 : i32
        %sign3A_231 = arith.cmpi sgt, %jit3A_221, %sign3A_230 : i32
        %sign3A_232 = arith.extui %sign3A_231 : i1 to i32
        %sign3A_233 = arith.constant 0 : i32
        %sign3A_234 = arith.cmpi slt, %jit3A_221, %sign3A_233 : i32
        %sign3A_235 = arith.extui %sign3A_234 : i1 to i32
        %sign3A_236 = arith.subi %sign3A_232, %sign3A_235 : i32
        %ne3A_237 = arith.cmpi ne, %sign3A_229, %sign3A_236 : i32
        %rem3A_238 = arith.remsi %sub3A_220, %jit3A_221 : i32
        %ne3A_239 = arith.constant 0 : i32
        %ne3A_240 = arith.cmpi ne, %rem3A_238, %ne3A_239 : i32
        %and3A_241 = arith.andi %ne3A_237, %ne3A_240 : i1
        %sub3A_242 = arith.constant 1 : i32
        %sub3A_243 = arith.subi %div3A_222, %sub3A_242 : i32
        %select_n3A_244 = arith.select %and3A_241, %sub3A_243, %div3A_222 : i32
        %mul3A_245 = arith.constant 2 : i32
        %mul3A_246 = arith.muli %select_n3A_244, %mul3A_245 : i32
        %sub3A_247 = arith.subi %sub3A_220, %mul3A_246 : i32
        %get3A = arith.index_cast %select_n3A : i32 to index
        %get3A_248 = arith.constant 0 : index
        %get3A_249 = tpu.vector_load %arg9[%get3A, %get3A_248] {strides = array<i32>} : memref<5x128xf32, #tpu.memory_space<vmem>>, vector<1x16xf32>,
        %get3A_250 = vector.shape_cast %get3A_249 : vector<1x16xf32> to vector<16xf32>
        %get3A_251 = arith.index_cast %select_n3A_244 : i32 to index
        %get3A_252 = arith.constant 0 : index
        %get3A_253 = tpu.vector_load %arg10[%get3A_251, %get3A_252] {strides = array<i32>} : memref<6x128xf32, #tpu.memory_space<vmem>>, vector<1x16xf32>,
        %get3A_254 = vector.shape_cast %get3A_253 : vector<1x16xf32> to vector<16xf32>
        %add3A_255 = arith.addf %get3A_250, %get3A_254 : vector<16xf32>
        %get3A_256 = arith.index_cast %sub3A_247 : i32 to index
        %get3A_257 = arith.constant 0 : index
        %get3A_258 = tpu.vector_load %arg11[%get3A_256, %get3A_257] {strides = array<i32>} : memref<2x128xf32, #tpu.memory_space<vmem>>, vector<1x16xf32>,
        %get3A_259 = vector.shape_cast %get3A_258 : vector<1x16xf32> to vector<16xf32>
        %add3A_260 = arith.addf %add3A_255, %get3A_259 : vector<16xf32>
        %swap3A = arith.index_cast %scan3A_197 : i32 to index
        %swap3A_261 = arith.constant 0 : index
        %swap3A_262 = tpu.vector_load %arg12[%swap3A, %swap3A_261] {strides = array<i32>} : memref<8x128xf32, #tpu.memory_space<vmem>>, vector<1x16xf32>,
        %swap3A_263 = vector.shape_cast %swap3A_262 : vector<1x16xf32> to vector<16xf32>
        %swap3A_264 = vector.shape_cast %add3A_260 : vector<16xf32> to vector<1x16xf32>
        tpu.vector_store %arg12[%swap3A, %swap3A_261], %swap3A_264 {strides = array<i32>} : memref<8x128xf32, #tpu.memory_space<vmem>>, vector<1x16xf32>,
        %get3A_265 = arith.index_cast %select_n3A : i32 to index
        %get3A_266 = arith.constant 16 : index
        %get3A_267 = tpu.vector_load %arg9[%get3A_265, %get3A_266] {strides = array<i32>} : memref<5x128xf32, #tpu.memory_space<vmem>>, vector<1x16xf32>,
        %get3A_268 = vector.shape_cast %get3A_267 : vector<1x16xf32> to vector<16xf32>
        %get3A_269 = arith.index_cast %select_n3A_244 : i32 to index
        %get3A_270 = arith.constant 16 : index
        %get3A_271 = tpu.vector_load %arg10[%get3A_269, %get3A_270] {strides = array<i32>} : memref<6x128xf32, #tpu.memory_space<vmem>>, vector<1x16xf32>,
        %get3A_272 = vector.shape_cast %get3A_271 : vector<1x16xf32> to vector<16xf32>
        %add3A_273 = arith.addf %get3A_268, %get3A_272 : vector<16xf32>
        %get3A_274 = arith.index_cast %sub3A_247 : i32 to index
        %get3A_275 = arith.constant 16 : index
        %get3A_276 = tpu.vector_load %arg11[%get3A_274, %get3A_275] {strides = array<i32>} : memref<2x128xf32, #tpu.memory_space<vmem>>, vector<1x16xf32>,
        %get3A_277 = vector.shape_cast %get3A_276 : vector<1x16xf32> to vector<16xf32>
        %add3A_278 = arith.addf %add3A_273, %get3A_277 : vector<16xf32>
        %swap3A_279 = arith.index_cast %scan3A_197 : i32 to index
        %swap3A_280 = arith.constant 16 : index
        %swap3A_281 = tpu.vector_load %arg12[%swap3A_279, %swap3A_280] {strides = array<i32>} : memref<8x128xf32, #tpu.memory_space<vmem>>, vector<1x16xf32>,
        %swap3A_282 = vector.shape_cast %swap3A_281 : vector<1x16xf32> to vector<16xf32>
        %swap3A_283 = vector.shape_cast %add3A_278 : vector<16xf32> to vector<1x16xf32>
        tpu.vector_store %arg12[%swap3A_279, %swap3A_280], %swap3A_283 {strides = array<i32>} : memref<8x128xf32, #tpu.memory_space<vmem>>, vector<1x16xf32>,
        %get3A_284 = arith.index_cast %select_n3A : i32 to index
        %get3A_285 = arith.constant 32 : index
        %get3A_286 = tpu.vector_load %arg9[%get3A_284, %get3A_285] {strides = array<i32>} : memref<5x128xf32, #tpu.memory_space<vmem>>, vector<1x16xf32>,
        %get3A_287 = vector.shape_cast %get3A_286 : vector<1x16xf32> to vector<16xf32>
        %get3A_288 = arith.index_cast %select_n3A_244 : i32 to index
        %get3A_289 = arith.constant 32 : index
        %get3A_290 = tpu.vector_load %arg10[%get3A_288, %get3A_289] {strides = array<i32>} : memref<6x128xf32, #tpu.memory_space<vmem>>, vector<1x16xf32>,
        %get3A_291 = vector.shape_cast %get3A_290 : vector<1x16xf32> to vector<16xf32>
        %add3A_292 = arith.addf %get3A_287, %get3A_291 : vector<16xf32>
        %get3A_293 = arith.index_cast %sub3A_247 : i32 to index
        %get3A_294 = arith.constant 32 : index
        %get3A_295 = tpu.vector_load %arg11[%get3A_293, %get3A_294] {strides = array<i32>} : memref<2x128xf32, #tpu.memory_space<vmem>>, vector<1x16xf32>,
        %get3A_296 = vector.shape_cast %get3A_295 : vector<1x16xf32> to vector<16xf32>
        %add3A_297 = arith.addf %add3A_292, %get3A_296 : vector<16xf32>
        %swap3A_298 = arith.index_cast %scan3A_197 : i32 to index
        %swap3A_299 = arith.constant 32 : index
        %swap3A_300 = tpu.vector_load %arg12[%swap3A_298, %swap3A_299] {strides = array<i32>} : memref<8x128xf32, #tpu.memory_space<vmem>>, vector<1x16xf32>,
        %swap3A_301 = vector.shape_cast %swap3A_300 : vector<1x16xf32> to vector<16xf32>
        %swap3A_302 = vector.shape_cast %add3A_297 : vector<16xf32> to vector<1x16xf32>
        tpu.vector_store %arg12[%swap3A_298, %swap3A_299], %swap3A_302 {strides = array<i32>} : memref<8x128xf32, #tpu.memory_space<vmem>>, vector<1x16xf32>,
        %get3A_303 = arith.index_cast %select_n3A : i32 to index
        %get3A_304 = arith.constant 48 : index
        %get3A_305 = tpu.vector_load %arg9[%get3A_303, %get3A_304] {strides = array<i32>} : memref<5x128xf32, #tpu.memory_space<vmem>>, vector<1x16xf32>,
        %get3A_306 = vector.shape_cast %get3A_305 : vector<1x16xf32> to vector<16xf32>
        %get3A_307 = arith.index_cast %select_n3A_244 : i32 to index
        %get3A_308 = arith.constant 48 : index
        %get3A_309 = tpu.vector_load %arg10[%get3A_307, %get3A_308] {strides = array<i32>} : memref<6x128xf32, #tpu.memory_space<vmem>>, vector<1x16xf32>,
        %get3A_310 = vector.shape_cast %get3A_309 : vector<1x16xf32> to vector<16xf32>
        %add3A_311 = arith.addf %get3A_306, %get3A_310 : vector<16xf32>
        %get3A_312 = arith.index_cast %sub3A_247 : i32 to index
        %get3A_313 = arith.constant 48 : index
        %get3A_314 = tpu.vector_load %arg11[%get3A_312, %get3A_313] {strides = array<i32>} : memref<2x128xf32, #tpu.memory_space<vmem>>, vector<1x16xf32>,
        %get3A_315 = vector.shape_cast %get3A_314 : vector<1x16xf32> to vector<16xf32>
        %add3A_316 = arith.addf %add3A_311, %get3A_315 : vector<16xf32>
        %swap3A_317 = arith.index_cast %scan3A_197 : i32 to index
        %swap3A_318 = arith.constant 48 : index
        %swap3A_319 = tpu.vector_load %arg12[%swap3A_317, %swap3A_318] {strides = array<i32>} : memref<8x128xf32, #tpu.memory_space<vmem>>, vector<1x16xf32>,
        %swap3A_320 = vector.shape_cast %swap3A_319 : vector<1x16xf32> to vector<16xf32>
        %swap3A_321 = vector.shape_cast %add3A_316 : vector<16xf32> to vector<1x16xf32>
        tpu.vector_store %arg12[%swap3A_317, %swap3A_318], %swap3A_321 {strides = array<i32>} : memref<8x128xf32, #tpu.memory_space<vmem>>, vector<1x16xf32>,
        %get3A_322 = arith.index_cast %select_n3A : i32 to index
        %get3A_323 = arith.constant 64 : index
        %get3A_324 = tpu.vector_load %arg9[%get3A_322, %get3A_323] {strides = array<i32>} : memref<5x128xf32, #tpu.memory_space<vmem>>, vector<1x16xf32>,
        %get3A_325 = vector.shape_cast %get3A_324 : vector<1x16xf32> to vector<16xf32>
        %get3A_326 = arith.index_cast %select_n3A_244 : i32 to index
        %get3A_327 = arith.constant 64 : index
        %get3A_328 = tpu.vector_load %arg10[%get3A_326, %get3A_327] {strides = array<i32>} : memref<6x128xf32, #tpu.memory_space<vmem>>, vector<1x16xf32>,
        %get3A_329 = vector.shape_cast %get3A_328 : vector<1x16xf32> to vector<16xf32>
        %add3A_330 = arith.addf %get3A_325, %get3A_329 : vector<16xf32>
        %get3A_331 = arith.index_cast %sub3A_247 : i32 to index
        %get3A_332 = arith.constant 64 : index
        %get3A_333 = tpu.vector_load %arg11[%get3A_331, %get3A_332] {strides = array<i32>} : memref<2x128xf32, #tpu.memory_space<vmem>>, vector<1x16xf32>,
        %get3A_334 = vector.shape_cast %get3A_333 : vector<1x16xf32> to vector<16xf32>
        %add3A_335 = arith.addf %add3A_330, %get3A_334 : vector<16xf32>
        %swap3A_336 = arith.index_cast %scan3A_197 : i32 to index
        %swap3A_337 = arith.constant 64 : index
        %swap3A_338 = tpu.vector_load %arg12[%swap3A_336, %swap3A_337] {strides = array<i32>} : memref<8x128xf32, #tpu.memory_space<vmem>>, vector<1x16xf32>,
        %swap3A_339 = vector.shape_cast %swap3A_338 : vector<1x16xf32> to vector<16xf32>
        %swap3A_340 = vector.shape_cast %add3A_335 : vector<16xf32> to vector<1x16xf32>
        tpu.vector_store %arg12[%swap3A_336, %swap3A_337], %swap3A_340 {strides = array<i32>} : memref<8x128xf32, #tpu.memory_space<vmem>>, vector<1x16xf32>,
        %get3A_341 = arith.index_cast %select_n3A : i32 to index
        %get3A_342 = arith.constant 80 : index
        %get3A_343 = tpu.vector_load %arg9[%get3A_341, %get3A_342] {strides = array<i32>} : memref<5x128xf32, #tpu.memory_space<vmem>>, vector<1x16xf32>,
        %get3A_344 = vector.shape_cast %get3A_343 : vector<1x16xf32> to vector<16xf32>
        %get3A_345 = arith.index_cast %select_n3A_244 : i32 to index
        %get3A_346 = arith.constant 80 : index
        %get3A_347 = tpu.vector_load %arg10[%get3A_345, %get3A_346] {strides = array<i32>} : memref<6x128xf32, #tpu.memory_space<vmem>>, vector<1x16xf32>,
        %get3A_348 = vector.shape_cast %get3A_347 : vector<1x16xf32> to vector<16xf32>
        %add3A_349 = arith.addf %get3A_344, %get3A_348 : vector<16xf32>
        %get3A_350 = arith.index_cast %sub3A_247 : i32 to index
        %get3A_351 = arith.constant 80 : index
        %get3A_352 = tpu.vector_load %arg11[%get3A_350, %get3A_351] {strides = array<i32>} : memref<2x128xf32, #tpu.memory_space<vmem>>, vector<1x16xf32>,
        %get3A_353 = vector.shape_cast %get3A_352 : vector<1x16xf32> to vector<16xf32>
        %add3A_354 = arith.addf %add3A_349, %get3A_353 : vector<16xf32>
        %swap3A_355 = arith.index_cast %scan3A_197 : i32 to index
        %swap3A_356 = arith.constant 80 : index
        %swap3A_357 = tpu.vector_load %arg12[%swap3A_355, %swap3A_356] {strides = array<i32>} : memref<8x128xf32, #tpu.memory_space<vmem>>, vector<1x16xf32>,
        %swap3A_358 = vector.shape_cast %swap3A_357 : vector<1x16xf32> to vector<16xf32>
        %swap3A_359 = vector.shape_cast %add3A_354 : vector<16xf32> to vector<1x16xf32>
        tpu.vector_store %arg12[%swap3A_355, %swap3A_356], %swap3A_359 {strides = array<i32>} : memref<8x128xf32, #tpu.memory_space<vmem>>, vector<1x16xf32>,
        %get3A_360 = arith.index_cast %select_n3A : i32 to index
        %get3A_361 = arith.constant 96 : index
        %get3A_362 = tpu.vector_load %arg9[%get3A_360, %get3A_361] {strides = array<i32>} : memref<5x128xf32, #tpu.memory_space<vmem>>, vector<1x16xf32>,
        %get3A_363 = vector.shape_cast %get3A_362 : vector<1x16xf32> to vector<16xf32>
        %get3A_364 = arith.index_cast %select_n3A_244 : i32 to index
        %get3A_365 = arith.constant 96 : index
        %get3A_366 = tpu.vector_load %arg10[%get3A_364, %get3A_365] {strides = array<i32>} : memref<6x128xf32, #tpu.memory_space<vmem>>, vector<1x16xf32>,
        %get3A_367 = vector.shape_cast %get3A_366 : vector<1x16xf32> to vector<16xf32>
        %add3A_368 = arith.addf %get3A_363, %get3A_367 : vector<16xf32>
        %get3A_369 = arith.index_cast %sub3A_247 : i32 to index
        %get3A_370 = arith.constant 96 : index
        %get3A_371 = tpu.vector_load %arg11[%get3A_369, %get3A_370] {strides = array<i32>} : memref<2x128xf32, #tpu.memory_space<vmem>>, vector<1x16xf32>,
        %get3A_372 = vector.shape_cast %get3A_371 : vector<1x16xf32> to vector<16xf32>
        %add3A_373 = arith.addf %add3A_368, %get3A_372 : vector<16xf32>
        %swap3A_374 = arith.index_cast %scan3A_197 : i32 to index
        %swap3A_375 = arith.constant 96 : index
        %swap3A_376 = tpu.vector_load %arg12[%swap3A_374, %swap3A_375] {strides = array<i32>} : memref<8x128xf32, #tpu.memory_space<vmem>>, vector<1x16xf32>,
        %swap3A_377 = vector.shape_cast %swap3A_376 : vector<1x16xf32> to vector<16xf32>
        %swap3A_378 = vector.shape_cast %add3A_373 : vector<16xf32> to vector<1x16xf32>
        tpu.vector_store %arg12[%swap3A_374, %swap3A_375], %swap3A_378 {strides = array<i32>} : memref<8x128xf32, #tpu.memory_space<vmem>>, vector<1x16xf32>,
        %get3A_379 = arith.index_cast %select_n3A : i32 to index
        %get3A_380 = arith.constant 112 : index
        %get3A_381 = tpu.vector_load %arg9[%get3A_379, %get3A_380] {strides = array<i32>} : memref<5x128xf32, #tpu.memory_space<vmem>>, vector<1x16xf32>,
        %get3A_382 = vector.shape_cast %get3A_381 : vector<1x16xf32> to vector<16xf32>
        %get3A_383 = arith.index_cast %select_n3A_244 : i32 to index
        %get3A_384 = arith.constant 112 : index
        %get3A_385 = tpu.vector_load %arg10[%get3A_383, %get3A_384] {strides = array<i32>} : memref<6x128xf32, #tpu.memory_space<vmem>>, vector<1x16xf32>,
        %get3A_386 = vector.shape_cast %get3A_385 : vector<1x16xf32> to vector<16xf32>
        %add3A_387 = arith.addf %get3A_382, %get3A_386 : vector<16xf32>
        %get3A_388 = arith.index_cast %sub3A_247 : i32 to index
        %get3A_389 = arith.constant 112 : index
        %get3A_390 = tpu.vector_load %arg11[%get3A_388, %get3A_389] {strides = array<i32>} : memref<2x128xf32, #tpu.memory_space<vmem>>, vector<1x16xf32>,
        %get3A_391 = vector.shape_cast %get3A_390 : vector<1x16xf32> to vector<16xf32>
        %add3A_392 = arith.addf %add3A_387, %get3A_391 : vector<16xf32>
        %swap3A_393 = arith.index_cast %scan3A_197 : i32 to index
        %swap3A_394 = arith.constant 112 : index
        %swap3A_395 = tpu.vector_load %arg12[%swap3A_393, %swap3A_394] {strides = array<i32>} : memref<8x128xf32, #tpu.memory_space<vmem>>, vector<1x16xf32>,
        %swap3A_396 = vector.shape_cast %swap3A_395 : vector<1x16xf32> to vector<16xf32>
        %swap3A_397 = vector.shape_cast %add3A_392 : vector<16xf32> to vector<1x16xf32>
        tpu.vector_store %arg12[%swap3A_393, %swap3A_394], %swap3A_397 {strides = array<i32>} : memref<8x128xf32, #tpu.memory_space<vmem>>, vector<1x16xf32>,
      }
      %scan3A_194 = arith.constant 8 : i32
      %mul3A_195 = arith.constant 8 : i32
      %mul3A_196 = arith.muli %mul3A_195, %arg1 : i32
      "tpu.region"() ({
        %run_scoped3A = tpu.sem_alloc : memref<!tpu.dma_semaphore, #tpu.memory_space<semaphore_mem>>
        %dma_start3A_197 = arith.constant 0 : i32
        %dma_start3A_198 = tpu.memref_slice %arg13[%mul3A_196, %dma_start3A_197] : memref<64x128xf32, #tpu.memory_space<vmem_shared>> -> memref<8x128xf32, #tpu.memory_space<vmem_shared>>
        %dma_start3A_199 = arith.constant 0 : i32
        %dma_start3A_200 = tpu.memref_slice %arg13[%mul3A_196, %dma_start3A_199] : memref<64x128xf32, #tpu.memory_space<vmem_shared>> -> memref<8x128xf32, #tpu.memory_space<vmem_shared>>
        tpu.enqueue_dma source(%arg12 : memref<8x128xf32, #tpu.memory_space<vmem>>) target(%dma_start3A_200 : memref<8x128xf32, #tpu.memory_space<vmem_shared>>) target_semaphore(%run_scoped3A : memref<!tpu.dma_semaphore, #tpu.memory_space<semaphore_mem>>)
        %dma_wait3A_201 = arith.constant 0 : i32
        %dma_wait3A_202 = tpu.memref_slice %arg13[%mul3A_196, %dma_wait3A_201] : memref<64x128xf32, #tpu.memory_space<vmem_shared>> -> memref<8x128xf32, #tpu.memory_space<vmem_shared>>
        %dma_wait3A_203 = arith.constant 0 : i32
        %dma_wait3A_204 = tpu.memref_slice %arg13[%mul3A_196, %dma_wait3A_203] : memref<64x128xf32, #tpu.memory_space<vmem_shared>> -> memref<8x128xf32, #tpu.memory_space<vmem_shared>>
        tpu.wait_dma2 semaphore(%run_scoped3A : memref<!tpu.dma_semaphore, #tpu.memory_space<semaphore_mem>>) src(%arg12 : memref<8x128xf32, #tpu.memory_space<vmem>>) dst(%dma_wait3A_204 : memref<8x128xf32, #tpu.memory_space<vmem_shared>>)
        tpu.yield
      }) : () -> ()
    } else {
    }
    %dma_wait3A = arith.constant 0 : i32
    %dma_wait3A_28 = tpu.memref_slice %arg2[%dma_wait3A] : memref<320000xi32, #tpu.memory_space<hbm>> -> memref<400xi32, #tpu.memory_space<hbm>>
    %dma_wait3A_29 = arith.constant 0 : i32
    %dma_wait3A_30 = tpu.memref_slice %arg2[%dma_wait3A_29] : memref<320000xi32, #tpu.memory_space<hbm>> -> memref<400xi32, #tpu.memory_space<hbm>>
    tpu.wait_dma2 semaphore(%arg23 : memref<!tpu.dma_semaphore, #tpu.memory_space<semaphore_mem>>) src(%dma_wait3A_30 : memref<400xi32, #tpu.memory_space<hbm>>) dst(%arg14 : memref<400xi32, #tpu.memory_space<vmem>>)
    %dma_wait3A_31 = arith.constant 0 : i32
    %dma_wait3A_32 = tpu.memref_slice %arg3[%dma_wait3A_31] : memref<320000xi32, #tpu.memory_space<hbm>> -> memref<400xi32, #tpu.memory_space<hbm>>
    %dma_wait3A_33 = arith.constant 0 : i32
    %dma_wait3A_34 = tpu.memref_slice %arg3[%dma_wait3A_33] : memref<320000xi32, #tpu.memory_space<hbm>> -> memref<400xi32, #tpu.memory_space<hbm>>
    tpu.wait_dma2 semaphore(%arg23 : memref<!tpu.dma_semaphore, #tpu.memory_space<semaphore_mem>>) src(%dma_wait3A_34 : memref<400xi32, #tpu.memory_space<hbm>>) dst(%arg16 : memref<400xi32, #tpu.memory_space<vmem>>)
    %dma_wait3A_35 = arith.constant 0 : i32
    %dma_wait3A_36 = tpu.memref_slice %arg4[%dma_wait3A_35] : memref<320000xi32, #tpu.memory_space<hbm>> -> memref<400xi32, #tpu.memory_space<hbm>>
    %dma_wait3A_37 = arith.constant 0 : i32
    %dma_wait3A_38 = tpu.memref_slice %arg4[%dma_wait3A_37] : memref<320000xi32, #tpu.memory_space<hbm>> -> memref<400xi32, #tpu.memory_space<hbm>>
    tpu.wait_dma2 semaphore(%arg23 : memref<!tpu.dma_semaphore, #tpu.memory_space<semaphore_mem>>) src(%dma_wait3A_38 : memref<400xi32, #tpu.memory_space<hbm>>) dst(%arg18 : memref<400xi32, #tpu.memory_space<vmem>>)
    %parallel_loop3A = arith.constant 0 : i32
    %parallel_loop3A_39 = arith.constant 25 : i32
    %parallel_loop3A_40 = arith.constant 1 : i32
    scf.for %parallel_loop3A_190 = %parallel_loop3A to %parallel_loop3A_39 step %parallel_loop3A_40  : i32 {
      %parallel_loop3A_191 = arith.constant 16 : i32
      %parallel_loop3A_192 = arith.muli %parallel_loop3A_191, %parallel_loop3A_190 : i32
      %parallel_loop3A_193 = arith.index_cast %parallel_loop3A_192 : i32 to index
      %parallel_loop3A_194 = tpu.vector_load %arg14[%parallel_loop3A_193] {strides = array<i32>} : memref<400xi32, #tpu.memory_space<vmem>>, vector<16xi32>,
      %parallel_loop3A_195 = vector.shape_cast %parallel_loop3A_194 : vector<16xi32> to vector<16xi32>
      %parallel_loop3A_196 = arith.constant 12 : i32
      %parallel_loop3A_197 = vector.broadcast %parallel_loop3A_196 : i32 to vector<16xi32>
      %parallel_loop3A_198 = arith.muli %parallel_loop3A_195, %parallel_loop3A_197 : vector<16xi32>
      %parallel_loop3A_199 = arith.index_cast %parallel_loop3A_192 : i32 to index
      %parallel_loop3A_200 = tpu.vector_load %arg16[%parallel_loop3A_199] {strides = array<i32>} : memref<400xi32, #tpu.memory_space<vmem>>, vector<16xi32>,
      %parallel_loop3A_201 = vector.shape_cast %parallel_loop3A_200 : vector<16xi32> to vector<16xi32>
      %parallel_loop3A_202 = arith.constant 2 : i32
      %parallel_loop3A_203 = vector.broadcast %parallel_loop3A_202 : i32 to vector<16xi32>
      %parallel_loop3A_204 = arith.muli %parallel_loop3A_201, %parallel_loop3A_203 : vector<16xi32>
      %parallel_loop3A_205 = arith.addi %parallel_loop3A_198, %parallel_loop3A_204 : vector<16xi32>
      %parallel_loop3A_206 = arith.index_cast %parallel_loop3A_192 : i32 to index
      %parallel_loop3A_207 = tpu.vector_load %arg18[%parallel_loop3A_206] {strides = array<i32>} : memref<400xi32, #tpu.memory_space<vmem>>, vector<16xi32>,
      %parallel_loop3A_208 = vector.shape_cast %parallel_loop3A_207 : vector<16xi32> to vector<16xi32>
      %parallel_loop3A_209 = arith.addi %parallel_loop3A_205, %parallel_loop3A_208 : vector<16xi32>
      %parallel_loop3A_210 = arith.index_cast %parallel_loop3A_192 : i32 to index
      %parallel_loop3A_211 = tpu.vector_load %arg20[%parallel_loop3A_210] {strides = array<i32>} : memref<400xi32, #tpu.memory_space<vmem>>, vector<16xi32>,
      %parallel_loop3A_212 = vector.shape_cast %parallel_loop3A_211 : vector<16xi32> to vector<16xi32>
      %parallel_loop3A_213 = vector.shape_cast %parallel_loop3A_209 : vector<16xi32> to vector<16xi32>
      tpu.vector_store %arg20[%parallel_loop3A_210], %parallel_loop3A_213 {strides = array<i32>} : memref<400xi32, #tpu.memory_space<vmem>>, vector<16xi32>,
    } {sc.loop_unroll_factor = 1 : i64, sc.parallel_access}
    %barrier3A = arith.constant 0 : index
    tpu.barrier barrier_id(%barrier3A)
    %dma_start3A_41 = arith.constant 0 : i32
    %dma_start3A_42 = arith.constant 0 : i32
    %dma_start3A_43 = arith.constant 0 : i32
    %dma_start3A_44 = tpu.memref_slice %arg22[%dma_start3A_41, %dma_start3A_42, %dma_start3A_43] : memref<2x400x128xf32, #tpu.memory_space<vmem>> -> memref<1x80x128xf32, #tpu.memory_space<vmem>>
    %dma_start3A_45 = tpu.memref_squeeze %dma_start3A_44 : memref<1x80x128xf32, #tpu.memory_space<vmem>> -> memref<80x128xf32, #tpu.memory_space<vmem>>
    %dma_start3A_46 = arith.constant 0 : i32
    %dma_start3A_47 = tpu.memref_slice %arg20[%dma_start3A_46] : memref<400xi32, #tpu.memory_space<vmem>> -> memref<80xi32, #tpu.memory_space<vmem>>
    %dma_start3A_48 = arith.constant 0 : i32
    %dma_start3A_49 = arith.constant 0 : i32
    %dma_start3A_50 = tpu.memref_slice %arg13[%dma_start3A_48, %dma_start3A_49] : memref<64x128xf32, #tpu.memory_space<vmem_shared>> -> memref<64x128xf32, #tpu.memory_space<vmem_shared>>
    tpu.enqueue_indirect_dma source(%dma_start3A_50 : memref<64x128xf32, #tpu.memory_space<vmem_shared>>) target(%dma_start3A_45 : memref<80x128xf32, #tpu.memory_space<vmem>>) offsets(%dma_start3A_47 : memref<80xi32, #tpu.memory_space<vmem>>) semaphore(%arg27 : memref<!tpu.dma_semaphore, #tpu.memory_space<semaphore_mem>>)
    %dma_start3A_51 = arith.constant 0 : i32
    %dma_start3A_52 = arith.constant 80 : i32
    %dma_start3A_53 = arith.constant 0 : i32
    %dma_start3A_54 = tpu.memref_slice %arg22[%dma_start3A_51, %dma_start3A_52, %dma_start3A_53] : memref<2x400x128xf32, #tpu.memory_space<vmem>> -> memref<1x80x128xf32, #tpu.memory_space<vmem>>
    %dma_start3A_55 = tpu.memref_squeeze %dma_start3A_54 : memref<1x80x128xf32, #tpu.memory_space<vmem>> -> memref<80x128xf32, #tpu.memory_space<vmem>>
    %dma_start3A_56 = arith.constant 80 : i32
    %dma_start3A_57 = tpu.memref_slice %arg20[%dma_start3A_56] : memref<400xi32, #tpu.memory_space<vmem>> -> memref<80xi32, #tpu.memory_space<vmem>>
    %dma_start3A_58 = arith.constant 0 : i32
    %dma_start3A_59 = arith.constant 0 : i32
    %dma_start3A_60 = tpu.memref_slice %arg13[%dma_start3A_58, %dma_start3A_59] : memref<64x128xf32, #tpu.memory_space<vmem_shared>> -> memref<64x128xf32, #tpu.memory_space<vmem_shared>>
    tpu.enqueue_indirect_dma source(%dma_start3A_60 : memref<64x128xf32, #tpu.memory_space<vmem_shared>>) target(%dma_start3A_55 : memref<80x128xf32, #tpu.memory_space<vmem>>) offsets(%dma_start3A_57 : memref<80xi32, #tpu.memory_space<vmem>>) semaphore(%arg27 : memref<!tpu.dma_semaphore, #tpu.memory_space<semaphore_mem>>)
    %dma_start3A_61 = arith.constant 0 : i32
    %dma_start3A_62 = arith.constant 160 : i32
    %dma_start3A_63 = arith.constant 0 : i32
    %dma_start3A_64 = tpu.memref_slice %arg22[%dma_start3A_61, %dma_start3A_62, %dma_start3A_63] : memref<2x400x128xf32, #tpu.memory_space<vmem>> -> memref<1x80x128xf32, #tpu.memory_space<vmem>>
    %dma_start3A_65 = tpu.memref_squeeze %dma_start3A_64 : memref<1x80x128xf32, #tpu.memory_space<vmem>> -> memref<80x128xf32, #tpu.memory_space<vmem>>
    %dma_start3A_66 = arith.constant 160 : i32
    %dma_start3A_67 = tpu.memref_slice %arg20[%dma_start3A_66] : memref<400xi32, #tpu.memory_space<vmem>> -> memref<80xi32, #tpu.memory_space<vmem>>
    %dma_start3A_68 = arith.constant 0 : i32
    %dma_start3A_69 = arith.constant 0 : i32
    %dma_start3A_70 = tpu.memref_slice %arg13[%dma_start3A_68, %dma_start3A_69] : memref<64x128xf32, #tpu.memory_space<vmem_shared>> -> memref<64x128xf32, #tpu.memory_space<vmem_shared>>
    tpu.enqueue_indirect_dma source(%dma_start3A_70 : memref<64x128xf32, #tpu.memory_space<vmem_shared>>) target(%dma_start3A_65 : memref<80x128xf32, #tpu.memory_space<vmem>>) offsets(%dma_start3A_67 : memref<80xi32, #tpu.memory_space<vmem>>) semaphore(%arg27 : memref<!tpu.dma_semaphore, #tpu.memory_space<semaphore_mem>>)
    %dma_start3A_71 = arith.constant 0 : i32
    %dma_start3A_72 = arith.constant 240 : i32
    %dma_start3A_73 = arith.constant 0 : i32
    %dma_start3A_74 = tpu.memref_slice %arg22[%dma_start3A_71, %dma_start3A_72, %dma_start3A_73] : memref<2x400x128xf32, #tpu.memory_space<vmem>> -> memref<1x80x128xf32, #tpu.memory_space<vmem>>
    %dma_start3A_75 = tpu.memref_squeeze %dma_start3A_74 : memref<1x80x128xf32, #tpu.memory_space<vmem>> -> memref<80x128xf32, #tpu.memory_space<vmem>>
    %dma_start3A_76 = arith.constant 240 : i32
    %dma_start3A_77 = tpu.memref_slice %arg20[%dma_start3A_76] : memref<400xi32, #tpu.memory_space<vmem>> -> memref<80xi32, #tpu.memory_space<vmem>>
    %dma_start3A_78 = arith.constant 0 : i32
    %dma_start3A_79 = arith.constant 0 : i32
    %dma_start3A_80 = tpu.memref_slice %arg13[%dma_start3A_78, %dma_start3A_79] : memref<64x128xf32, #tpu.memory_space<vmem_shared>> -> memref<64x128xf32, #tpu.memory_space<vmem_shared>>
    tpu.enqueue_indirect_dma source(%dma_start3A_80 : memref<64x128xf32, #tpu.memory_space<vmem_shared>>) target(%dma_start3A_75 : memref<80x128xf32, #tpu.memory_space<vmem>>) offsets(%dma_start3A_77 : memref<80xi32, #tpu.memory_space<vmem>>) semaphore(%arg27 : memref<!tpu.dma_semaphore, #tpu.memory_space<semaphore_mem>>)
    %dma_start3A_81 = arith.constant 0 : i32
    %dma_start3A_82 = arith.constant 320 : i32
    %dma_start3A_83 = arith.constant 0 : i32
    %dma_start3A_84 = tpu.memref_slice %arg22[%dma_start3A_81, %dma_start3A_82, %dma_start3A_83] : memref<2x400x128xf32, #tpu.memory_space<vmem>> -> memref<1x80x128xf32, #tpu.memory_space<vmem>>
    %dma_start3A_85 = tpu.memref_squeeze %dma_start3A_84 : memref<1x80x128xf32, #tpu.memory_space<vmem>> -> memref<80x128xf32, #tpu.memory_space<vmem>>
    %dma_start3A_86 = arith.constant 320 : i32
    %dma_start3A_87 = tpu.memref_slice %arg20[%dma_start3A_86] : memref<400xi32, #tpu.memory_space<vmem>> -> memref<80xi32, #tpu.memory_space<vmem>>
    %dma_start3A_88 = arith.constant 0 : i32
    %dma_start3A_89 = arith.constant 0 : i32
    %dma_start3A_90 = tpu.memref_slice %arg13[%dma_start3A_88, %dma_start3A_89] : memref<64x128xf32, #tpu.memory_space<vmem_shared>> -> memref<64x128xf32, #tpu.memory_space<vmem_shared>>
    tpu.enqueue_indirect_dma source(%dma_start3A_90 : memref<64x128xf32, #tpu.memory_space<vmem_shared>>) target(%dma_start3A_85 : memref<80x128xf32, #tpu.memory_space<vmem>>) offsets(%dma_start3A_87 : memref<80xi32, #tpu.memory_space<vmem>>) semaphore(%arg27 : memref<!tpu.dma_semaphore, #tpu.memory_space<semaphore_mem>>)
    %scan3A = arith.constant 0 : i32
    %scan3A_91 = arith.constant 12 : i32
    %scan3A_92 = arith.addi %scan3A, %scan3A_91 : i32
    %scan3A_93 = arith.constant 1 : i32
    scf.for %scan3A_190 = %scan3A to %scan3A_92 step %scan3A_93  : i32 {
      %dma_wait3A_191 = arith.constant 0 : i32
      %dma_wait3A_192 = tpu.memref_slice %arg2[%dma_wait3A_191] : memref<320000xi32, #tpu.memory_space<hbm>> -> memref<400xi32, #tpu.memory_space<hbm>>
      %dma_wait3A_193 = arith.constant 0 : i32
      %dma_wait3A_194 = tpu.memref_slice %arg2[%dma_wait3A_193] : memref<320000xi32, #tpu.memory_space<hbm>> -> memref<400xi32, #tpu.memory_space<hbm>>
      tpu.wait_dma2 semaphore(%arg24 : memref<!tpu.dma_semaphore, #tpu.memory_space<semaphore_mem>>) src(%dma_wait3A_194 : memref<400xi32, #tpu.memory_space<hbm>>) dst(%arg15 : memref<400xi32, #tpu.memory_space<vmem>>)
      %dma_wait3A_195 = arith.constant 0 : i32
      %dma_wait3A_196 = tpu.memref_slice %arg3[%dma_wait3A_195] : memref<320000xi32, #tpu.memory_space<hbm>> -> memref<400xi32, #tpu.memory_space<hbm>>
      %dma_wait3A_197 = arith.constant 0 : i32
      %dma_wait3A_198 = tpu.memref_slice %arg3[%dma_wait3A_197] : memref<320000xi32, #tpu.memory_space<hbm>> -> memref<400xi32, #tpu.memory_space<hbm>>
      tpu.wait_dma2 semaphore(%arg24 : memref<!tpu.dma_semaphore, #tpu.memory_space<semaphore_mem>>) src(%dma_wait3A_198 : memref<400xi32, #tpu.memory_space<hbm>>) dst(%arg17 : memref<400xi32, #tpu.memory_space<vmem>>)
      %dma_wait3A_199 = arith.constant 0 : i32
      %dma_wait3A_200 = tpu.memref_slice %arg4[%dma_wait3A_199] : memref<320000xi32, #tpu.memory_space<hbm>> -> memref<400xi32, #tpu.memory_space<hbm>>
      %dma_wait3A_201 = arith.constant 0 : i32
      %dma_wait3A_202 = tpu.memref_slice %arg4[%dma_wait3A_201] : memref<320000xi32, #tpu.memory_space<hbm>> -> memref<400xi32, #tpu.memory_space<hbm>>
      tpu.wait_dma2 semaphore(%arg24 : memref<!tpu.dma_semaphore, #tpu.memory_space<semaphore_mem>>) src(%dma_wait3A_202 : memref<400xi32, #tpu.memory_space<hbm>>) dst(%arg19 : memref<400xi32, #tpu.memory_space<vmem>>)
      %parallel_loop3A_203 = arith.constant 0 : i32
      %parallel_loop3A_204 = arith.constant 25 : i32
      %parallel_loop3A_205 = arith.constant 1 : i32
      scf.for %parallel_loop3A_502 = %parallel_loop3A_203 to %parallel_loop3A_204 step %parallel_loop3A_205  : i32 {
        %parallel_loop3A_503 = arith.constant 16 : i32
        %parallel_loop3A_504 = arith.muli %parallel_loop3A_503, %parallel_loop3A_502 : i32
        %parallel_loop3A_505 = arith.index_cast %parallel_loop3A_504 : i32 to index
        %parallel_loop3A_506 = tpu.vector_load %arg15[%parallel_loop3A_505] {strides = array<i32>} : memref<400xi32, #tpu.memory_space<vmem>>, vector<16xi32>,
        %parallel_loop3A_507 = vector.shape_cast %parallel_loop3A_506 : vector<16xi32> to vector<16xi32>
        %parallel_loop3A_508 = arith.constant 12 : i32
        %parallel_loop3A_509 = vector.broadcast %parallel_loop3A_508 : i32 to vector<16xi32>
        %parallel_loop3A_510 = arith.muli %parallel_loop3A_507, %parallel_loop3A_509 : vector<16xi32>
        %parallel_loop3A_511 = arith.index_cast %parallel_loop3A_504 : i32 to index
        %parallel_loop3A_512 = tpu.vector_load %arg17[%parallel_loop3A_511] {strides = array<i32>} : memref<400xi32, #tpu.memory_space<vmem>>, vector<16xi32>,
        %parallel_loop3A_513 = vector.shape_cast %parallel_loop3A_512 : vector<16xi32> to vector<16xi32>
        %parallel_loop3A_514 = arith.constant 2 : i32
        %parallel_loop3A_515 = vector.broadcast %parallel_loop3A_514 : i32 to vector<16xi32>
        %parallel_loop3A_516 = arith.muli %parallel_loop3A_513, %parallel_loop3A_515 : vector<16xi32>
        %parallel_loop3A_517 = arith.addi %parallel_loop3A_510, %parallel_loop3A_516 : vector<16xi32>
        %parallel_loop3A_518 = arith.index_cast %parallel_loop3A_504 : i32 to index
        %parallel_loop3A_519 = tpu.vector_load %arg19[%parallel_loop3A_518] {strides = array<i32>} : memref<400xi32, #tpu.memory_space<vmem>>, vector<16xi32>,
        %parallel_loop3A_520 = vector.shape_cast %parallel_loop3A_519 : vector<16xi32> to vector<16xi32>
        %parallel_loop3A_521 = arith.addi %parallel_loop3A_517, %parallel_loop3A_520 : vector<16xi32>
        %parallel_loop3A_522 = arith.index_cast %parallel_loop3A_504 : i32 to index
        %parallel_loop3A_523 = tpu.vector_load %arg21[%parallel_loop3A_522] {strides = array<i32>} : memref<400xi32, #tpu.memory_space<vmem>>, vector<16xi32>,
        %parallel_loop3A_524 = vector.shape_cast %parallel_loop3A_523 : vector<16xi32> to vector<16xi32>
        %parallel_loop3A_525 = vector.shape_cast %parallel_loop3A_521 : vector<16xi32> to vector<16xi32>
        tpu.vector_store %arg21[%parallel_loop3A_522], %parallel_loop3A_525 {strides = array<i32>} : memref<400xi32, #tpu.memory_space<vmem>>, vector<16xi32>,
      } {sc.loop_unroll_factor = 1 : i64, sc.parallel_access}
      %ge3A = arith.constant 1 : i32
      %ge3A_206 = arith.cmpi sge, %scan3A_190, %ge3A : i32
      %convert_element_type3A_207 = arith.extui %ge3A_206 : i1 to i32
      %cond3A_208 = arith.constant 0 : i32
      %cond3A_209 = arith.cmpi ne, %convert_element_type3A_207, %cond3A_208 : i32
      scf.if %cond3A_209 {
        %dma_wait3A_502 = arith.constant 1 : i32
        %dma_wait3A_503 = arith.constant 0 : i32
        %dma_wait3A_504 = arith.constant 0 : i32
        %dma_wait3A_505 = tpu.memref_slice %arg22[%dma_wait3A_502, %dma_wait3A_503, %dma_wait3A_504] : memref<2x400x128xf32, #tpu.memory_space<vmem>> -> memref<1x400x128xf32, #tpu.memory_space<vmem>>
        %dma_wait3A_506 = tpu.memref_squeeze %dma_wait3A_505 : memref<1x400x128xf32, #tpu.memory_space<vmem>> -> memref<400x128xf32, #tpu.memory_space<vmem>>
        %dma_wait3A_507 = arith.constant 0 : i32
        %dma_wait3A_508 = arith.constant 0 : i32
        %dma_wait3A_509 = tpu.memref_slice %arg8[%dma_wait3A_507, %dma_wait3A_508] : memref<320000x128xf32, #tpu.memory_space<hbm>> -> memref<400x128xf32, #tpu.memory_space<hbm>>
        %dma_wait3A_510 = arith.constant 0 : i32
        %dma_wait3A_511 = arith.constant 0 : i32
        %dma_wait3A_512 = tpu.memref_slice %arg8[%dma_wait3A_510, %dma_wait3A_511] : memref<320000x128xf32, #tpu.memory_space<hbm>> -> memref<400x128xf32, #tpu.memory_space<hbm>>
        %dma_wait3A_513 = arith.constant 0 : i32
        %dma_wait3A_514 = arith.constant 0 : i32
        %dma_wait3A_515 = tpu.memref_slice %arg22[%dma_wait3A_502, %dma_wait3A_513, %dma_wait3A_514] : memref<2x400x128xf32, #tpu.memory_space<vmem>> -> memref<1x400x128xf32, #tpu.memory_space<vmem>>
        %dma_wait3A_516 = tpu.memref_squeeze %dma_wait3A_515 : memref<1x400x128xf32, #tpu.memory_space<vmem>> -> memref<400x128xf32, #tpu.memory_space<vmem>>
        tpu.wait_dma2 semaphore(%arg26 : memref<!tpu.dma_semaphore, #tpu.memory_space<semaphore_mem>>) src(%dma_wait3A_516 : memref<400x128xf32, #tpu.memory_space<vmem>>) dst(%dma_wait3A_512 : memref<400x128xf32, #tpu.memory_space<hbm>>)
      } else {
      }
      %dma_start3A_210 = arith.constant 1 : i32
      %dma_start3A_211 = arith.constant 0 : i32
      %dma_start3A_212 = arith.constant 0 : i32
      %dma_start3A_213 = tpu.memref_slice %arg22[%dma_start3A_210, %dma_start3A_211, %dma_start3A_212] : memref<2x400x128xf32, #tpu.memory_space<vmem>> -> memref<1x80x128xf32, #tpu.memory_space<vmem>>
      %dma_start3A_214 = tpu.memref_squeeze %dma_start3A_213 : memref<1x80x128xf32, #tpu.memory_space<vmem>> -> memref<80x128xf32, #tpu.memory_space<vmem>>
      %dma_start3A_215 = arith.constant 0 : i32
      %dma_start3A_216 = tpu.memref_slice %arg21[%dma_start3A_215] : memref<400xi32, #tpu.memory_space<vmem>> -> memref<80xi32, #tpu.memory_space<vmem>>
      %dma_start3A_217 = arith.constant 0 : i32
      %dma_start3A_218 = arith.constant 0 : i32
      %dma_start3A_219 = tpu.memref_slice %arg13[%dma_start3A_217, %dma_start3A_218] : memref<64x128xf32, #tpu.memory_space<vmem_shared>> -> memref<64x128xf32, #tpu.memory_space<vmem_shared>>
      tpu.enqueue_indirect_dma source(%dma_start3A_219 : memref<64x128xf32, #tpu.memory_space<vmem_shared>>) target(%dma_start3A_214 : memref<80x128xf32, #tpu.memory_space<vmem>>) offsets(%dma_start3A_216 : memref<80xi32, #tpu.memory_space<vmem>>) semaphore(%arg28 : memref<!tpu.dma_semaphore, #tpu.memory_space<semaphore_mem>>)
      %dma_start3A_220 = arith.constant 1 : i32
      %dma_start3A_221 = arith.constant 80 : i32
      %dma_start3A_222 = arith.constant 0 : i32
      %dma_start3A_223 = tpu.memref_slice %arg22[%dma_start3A_220, %dma_start3A_221, %dma_start3A_222] : memref<2x400x128xf32, #tpu.memory_space<vmem>> -> memref<1x80x128xf32, #tpu.memory_space<vmem>>
      %dma_start3A_224 = tpu.memref_squeeze %dma_start3A_223 : memref<1x80x128xf32, #tpu.memory_space<vmem>> -> memref<80x128xf32, #tpu.memory_space<vmem>>
      %dma_start3A_225 = arith.constant 80 : i32
      %dma_start3A_226 = tpu.memref_slice %arg21[%dma_start3A_225] : memref<400xi32, #tpu.memory_space<vmem>> -> memref<80xi32, #tpu.memory_space<vmem>>
      %dma_start3A_227 = arith.constant 0 : i32
      %dma_start3A_228 = arith.constant 0 : i32
      %dma_start3A_229 = tpu.memref_slice %arg13[%dma_start3A_227, %dma_start3A_228] : memref<64x128xf32, #tpu.memory_space<vmem_shared>> -> memref<64x128xf32, #tpu.memory_space<vmem_shared>>
      tpu.enqueue_indirect_dma source(%dma_start3A_229 : memref<64x128xf32, #tpu.memory_space<vmem_shared>>) target(%dma_start3A_224 : memref<80x128xf32, #tpu.memory_space<vmem>>) offsets(%dma_start3A_226 : memref<80xi32, #tpu.memory_space<vmem>>) semaphore(%arg28 : memref<!tpu.dma_semaphore, #tpu.memory_space<semaphore_mem>>)
      %dma_start3A_230 = arith.constant 1 : i32
      %dma_start3A_231 = arith.constant 160 : i32
      %dma_start3A_232 = arith.constant 0 : i32
      %dma_start3A_233 = tpu.memref_slice %arg22[%dma_start3A_230, %dma_start3A_231, %dma_start3A_232] : memref<2x400x128xf32, #tpu.memory_space<vmem>> -> memref<1x80x128xf32, #tpu.memory_space<vmem>>
      %dma_start3A_234 = tpu.memref_squeeze %dma_start3A_233 : memref<1x80x128xf32, #tpu.memory_space<vmem>> -> memref<80x128xf32, #tpu.memory_space<vmem>>
      %dma_start3A_235 = arith.constant 160 : i32
      %dma_start3A_236 = tpu.memref_slice %arg21[%dma_start3A_235] : memref<400xi32, #tpu.memory_space<vmem>> -> memref<80xi32, #tpu.memory_space<vmem>>
      %dma_start3A_237 = arith.constant 0 : i32
      %dma_start3A_238 = arith.constant 0 : i32
      %dma_start3A_239 = tpu.memref_slice %arg13[%dma_start3A_237, %dma_start3A_238] : memref<64x128xf32, #tpu.memory_space<vmem_shared>> -> memref<64x128xf32, #tpu.memory_space<vmem_shared>>
      tpu.enqueue_indirect_dma source(%dma_start3A_239 : memref<64x128xf32, #tpu.memory_space<vmem_shared>>) target(%dma_start3A_234 : memref<80x128xf32, #tpu.memory_space<vmem>>) offsets(%dma_start3A_236 : memref<80xi32, #tpu.memory_space<vmem>>) semaphore(%arg28 : memref<!tpu.dma_semaphore, #tpu.memory_space<semaphore_mem>>)
      %dma_start3A_240 = arith.constant 1 : i32
      %dma_start3A_241 = arith.constant 240 : i32
      %dma_start3A_242 = arith.constant 0 : i32
      %dma_start3A_243 = tpu.memref_slice %arg22[%dma_start3A_240, %dma_start3A_241, %dma_start3A_242] : memref<2x400x128xf32, #tpu.memory_space<vmem>> -> memref<1x80x128xf32, #tpu.memory_space<vmem>>
      %dma_start3A_244 = tpu.memref_squeeze %dma_start3A_243 : memref<1x80x128xf32, #tpu.memory_space<vmem>> -> memref<80x128xf32, #tpu.memory_space<vmem>>
      %dma_start3A_245 = arith.constant 240 : i32
      %dma_start3A_246 = tpu.memref_slice %arg21[%dma_start3A_245] : memref<400xi32, #tpu.memory_space<vmem>> -> memref<80xi32, #tpu.memory_space<vmem>>
      %dma_start3A_247 = arith.constant 0 : i32
      %dma_start3A_248 = arith.constant 0 : i32
      %dma_start3A_249 = tpu.memref_slice %arg13[%dma_start3A_247, %dma_start3A_248] : memref<64x128xf32, #tpu.memory_space<vmem_shared>> -> memref<64x128xf32, #tpu.memory_space<vmem_shared>>
      tpu.enqueue_indirect_dma source(%dma_start3A_249 : memref<64x128xf32, #tpu.memory_space<vmem_shared>>) target(%dma_start3A_244 : memref<80x128xf32, #tpu.memory_space<vmem>>) offsets(%dma_start3A_246 : memref<80xi32, #tpu.memory_space<vmem>>) semaphore(%arg28 : memref<!tpu.dma_semaphore, #tpu.memory_space<semaphore_mem>>)
      %dma_start3A_250 = arith.constant 1 : i32
      %dma_start3A_251 = arith.constant 320 : i32
      %dma_start3A_252 = arith.constant 0 : i32
      %dma_start3A_253 = tpu.memref_slice %arg22[%dma_start3A_250, %dma_start3A_251, %dma_start3A_252] : memref<2x400x128xf32, #tpu.memory_space<vmem>> -> memref<1x80x128xf32, #tpu.memory_space<vmem>>
      %dma_start3A_254 = tpu.memref_squeeze %dma_start3A_253 : memref<1x80x128xf32, #tpu.memory_space<vmem>> -> memref<80x128xf32, #tpu.memory_space<vmem>>
      %dma_start3A_255 = arith.constant 320 : i32
      %dma_start3A_256 = tpu.memref_slice %arg21[%dma_start3A_255] : memref<400xi32, #tpu.memory_space<vmem>> -> memref<80xi32, #tpu.memory_space<vmem>>
      %dma_start3A_257 = arith.constant 0 : i32
      %dma_start3A_258 = arith.constant 0 : i32
      %dma_start3A_259 = tpu.memref_slice %arg13[%dma_start3A_257, %dma_start3A_258] : memref<64x128xf32, #tpu.memory_space<vmem_shared>> -> memref<64x128xf32, #tpu.memory_space<vmem_shared>>
      tpu.enqueue_indirect_dma source(%dma_start3A_259 : memref<64x128xf32, #tpu.memory_space<vmem_shared>>) target(%dma_start3A_254 : memref<80x128xf32, #tpu.memory_space<vmem>>) offsets(%dma_start3A_256 : memref<80xi32, #tpu.memory_space<vmem>>) semaphore(%arg28 : memref<!tpu.dma_semaphore, #tpu.memory_space<semaphore_mem>>)
      %dma_wait3A_260 = arith.constant 0 : i32
      %dma_wait3A_261 = arith.constant 0 : i32
      %dma_wait3A_262 = arith.constant 0 : i32
      %dma_wait3A_263 = tpu.memref_slice %arg22[%dma_wait3A_260, %dma_wait3A_261, %dma_wait3A_262] : memref<2x400x128xf32, #tpu.memory_space<vmem>> -> memref<1x80x128xf32, #tpu.memory_space<vmem>>
      %dma_wait3A_264 = tpu.memref_squeeze %dma_wait3A_263 : memref<1x80x128xf32, #tpu.memory_space<vmem>> -> memref<80x128xf32, #tpu.memory_space<vmem>>
      %dma_wait3A_265 = arith.constant 0 : i32
      %dma_wait3A_266 = tpu.memref_slice %arg20[%dma_wait3A_265] : memref<400xi32, #tpu.memory_space<vmem>> -> memref<80xi32, #tpu.memory_space<vmem>>
      %dma_wait3A_267 = arith.constant 0 : i32
      %dma_wait3A_268 = arith.constant 0 : i32
      %dma_wait3A_269 = tpu.memref_slice %arg13[%dma_wait3A_267, %dma_wait3A_268] : memref<64x128xf32, #tpu.memory_space<vmem_shared>> -> memref<64x128xf32, #tpu.memory_space<vmem_shared>>
      tpu.wait_indirect_dma semaphore(%arg27 : memref<!tpu.dma_semaphore, #tpu.memory_space<semaphore_mem>>) src(%dma_wait3A_269 : memref<64x128xf32, #tpu.memory_space<vmem_shared>>) dst(%dma_wait3A_264 : memref<80x128xf32, #tpu.memory_space<vmem>>)
      %dma_wait3A_270 = arith.constant 0 : i32
      %dma_wait3A_271 = arith.constant 0 : i32
      %dma_wait3A_272 = arith.constant 0 : i32
      %dma_wait3A_273 = tpu.memref_slice %arg22[%dma_wait3A_270, %dma_wait3A_271, %dma_wait3A_272] : memref<2x400x128xf32, #tpu.memory_space<vmem>> -> memref<1x80x128xf32, #tpu.memory_space<vmem>>
      %dma_wait3A_274 = tpu.memref_squeeze %dma_wait3A_273 : memref<1x80x128xf32, #tpu.memory_space<vmem>> -> memref<80x128xf32, #tpu.memory_space<vmem>>
      %dma_wait3A_275 = arith.constant 0 : i32
      %dma_wait3A_276 = tpu.memref_slice %arg20[%dma_wait3A_275] : memref<400xi32, #tpu.memory_space<vmem>> -> memref<80xi32, #tpu.memory_space<vmem>>
      %dma_wait3A_277 = arith.constant 0 : i32
      %dma_wait3A_278 = arith.constant 0 : i32
      %dma_wait3A_279 = tpu.memref_slice %arg13[%dma_wait3A_277, %dma_wait3A_278] : memref<64x128xf32, #tpu.memory_space<vmem_shared>> -> memref<64x128xf32, #tpu.memory_space<vmem_shared>>
      tpu.wait_indirect_dma semaphore(%arg27 : memref<!tpu.dma_semaphore, #tpu.memory_space<semaphore_mem>>) src(%dma_wait3A_279 : memref<64x128xf32, #tpu.memory_space<vmem_shared>>) dst(%dma_wait3A_274 : memref<80x128xf32, #tpu.memory_space<vmem>>)
      %dma_wait3A_280 = arith.constant 0 : i32
      %dma_wait3A_281 = arith.constant 0 : i32
      %dma_wait3A_282 = arith.constant 0 : i32
      %dma_wait3A_283 = tpu.memref_slice %arg22[%dma_wait3A_280, %dma_wait3A_281, %dma_wait3A_282] : memref<2x400x128xf32, #tpu.memory_space<vmem>> -> memref<1x80x128xf32, #tpu.memory_space<vmem>>
      %dma_wait3A_284 = tpu.memref_squeeze %dma_wait3A_283 : memref<1x80x128xf32, #tpu.memory_space<vmem>> -> memref<80x128xf32, #tpu.memory_space<vmem>>
      %dma_wait3A_285 = arith.constant 0 : i32
      %dma_wait3A_286 = tpu.memref_slice %arg20[%dma_wait3A_285] : memref<400xi32, #tpu.memory_space<vmem>> -> memref<80xi32, #tpu.memory_space<vmem>>
      %dma_wait3A_287 = arith.constant 0 : i32
      %dma_wait3A_288 = arith.constant 0 : i32
      %dma_wait3A_289 = tpu.memref_slice %arg13[%dma_wait3A_287, %dma_wait3A_288] : memref<64x128xf32, #tpu.memory_space<vmem_shared>> -> memref<64x128xf32, #tpu.memory_space<vmem_shared>>
      tpu.wait_indirect_dma semaphore(%arg27 : memref<!tpu.dma_semaphore, #tpu.memory_space<semaphore_mem>>) src(%dma_wait3A_289 : memref<64x128xf32, #tpu.memory_space<vmem_shared>>) dst(%dma_wait3A_284 : memref<80x128xf32, #tpu.memory_space<vmem>>)
      %dma_wait3A_290 = arith.constant 0 : i32
      %dma_wait3A_291 = arith.constant 0 : i32
      %dma_wait3A_292 = arith.constant 0 : i32
      %dma_wait3A_293 = tpu.memref_slice %arg22[%dma_wait3A_290, %dma_wait3A_291, %dma_wait3A_292] : memref<2x400x128xf32, #tpu.memory_space<vmem>> -> memref<1x80x128xf32, #tpu.memory_space<vmem>>
      %dma_wait3A_294 = tpu.memref_squeeze %dma_wait3A_293 : memref<1x80x128xf32, #tpu.memory_space<vmem>> -> memref<80x128xf32, #tpu.memory_space<vmem>>
      %dma_wait3A_295 = arith.constant 0 : i32
      %dma_wait3A_296 = tpu.memref_slice %arg20[%dma_wait3A_295] : memref<400xi32, #tpu.memory_space<vmem>> -> memref<80xi32, #tpu.memory_space<vmem>>
      %dma_wait3A_297 = arith.constant 0 : i32
      %dma_wait3A_298 = arith.constant 0 : i32
      %dma_wait3A_299 = tpu.memref_slice %arg13[%dma_wait3A_297, %dma_wait3A_298] : memref<64x128xf32, #tpu.memory_space<vmem_shared>> -> memref<64x128xf32, #tpu.memory_space<vmem_shared>>
      tpu.wait_indirect_dma semaphore(%arg27 : memref<!tpu.dma_semaphore, #tpu.memory_space<semaphore_mem>>) src(%dma_wait3A_299 : memref<64x128xf32, #tpu.memory_space<vmem_shared>>) dst(%dma_wait3A_294 : memref<80x128xf32, #tpu.memory_space<vmem>>)
      %dma_wait3A_300 = arith.constant 0 : i32
      %dma_wait3A_301 = arith.constant 0 : i32
      %dma_wait3A_302 = arith.constant 0 : i32
      %dma_wait3A_303 = tpu.memref_slice %arg22[%dma_wait3A_300, %dma_wait3A_301, %dma_wait3A_302] : memref<2x400x128xf32, #tpu.memory_space<vmem>> -> memref<1x80x128xf32, #tpu.memory_space<vmem>>
      %dma_wait3A_304 = tpu.memref_squeeze %dma_wait3A_303 : memref<1x80x128xf32, #tpu.memory_space<vmem>> -> memref<80x128xf32, #tpu.memory_space<vmem>>
      %dma_wait3A_305 = arith.constant 0 : i32
      %dma_wait3A_306 = tpu.memref_slice %arg20[%dma_wait3A_305] : memref<400xi32, #tpu.memory_space<vmem>> -> memref<80xi32, #tpu.memory_space<vmem>>
      %dma_wait3A_307 = arith.constant 0 : i32
      %dma_wait3A_308 = arith.constant 0 : i32
      %dma_wait3A_309 = tpu.memref_slice %arg13[%dma_wait3A_307, %dma_wait3A_308] : memref<64x128xf32, #tpu.memory_space<vmem_shared>> -> memref<64x128xf32, #tpu.memory_space<vmem_shared>>
      tpu.wait_indirect_dma semaphore(%arg27 : memref<!tpu.dma_semaphore, #tpu.memory_space<semaphore_mem>>) src(%dma_wait3A_309 : memref<64x128xf32, #tpu.memory_space<vmem_shared>>) dst(%dma_wait3A_304 : memref<80x128xf32, #tpu.memory_space<vmem>>)
      %mul3A_310 = arith.constant 2 : i32
      %mul3A_311 = arith.muli %mul3A_310, %scan3A_190 : i32
      %mul3A_312 = arith.constant 400 : i32
      %mul3A_313 = arith.muli %mul3A_311, %mul3A_312 : i32
      %add3A_314 = arith.addi %mul3A_2, %mul3A_313 : i32
      %dma_start3A_315 = arith.constant 0 : i32
      %dma_start3A_316 = arith.constant 0 : i32
      %dma_start3A_317 = arith.constant 0 : i32
      %dma_start3A_318 = tpu.memref_slice %arg22[%dma_start3A_315, %dma_start3A_316, %dma_start3A_317] : memref<2x400x128xf32, #tpu.memory_space<vmem>> -> memref<1x400x128xf32, #tpu.memory_space<vmem>>
      %dma_start3A_319 = tpu.memref_squeeze %dma_start3A_318 : memref<1x400x128xf32, #tpu.memory_space<vmem>> -> memref<400x128xf32, #tpu.memory_space<vmem>>
      %dma_start3A_320 = arith.constant 0 : i32
      %dma_start3A_321 = tpu.memref_slice %arg8[%add3A_314, %dma_start3A_320] : memref<320000x128xf32, #tpu.memory_space<hbm>> -> memref<400x128xf32, #tpu.memory_space<hbm>>
      %dma_start3A_322 = arith.constant 0 : i32
      %dma_start3A_323 = tpu.memref_slice %arg8[%add3A_314, %dma_start3A_322] : memref<320000x128xf32, #tpu.memory_space<hbm>> -> memref<400x128xf32, #tpu.memory_space<hbm>>
      %dma_start3A_324 = arith.constant 0 : i32
      %dma_start3A_325 = arith.constant 0 : i32
      %dma_start3A_326 = tpu.memref_slice %arg22[%dma_start3A_315, %dma_start3A_324, %dma_start3A_325] : memref<2x400x128xf32, #tpu.memory_space<vmem>> -> memref<1x400x128xf32, #tpu.memory_space<vmem>>
      %dma_start3A_327 = tpu.memref_squeeze %dma_start3A_326 : memref<1x400x128xf32, #tpu.memory_space<vmem>> -> memref<400x128xf32, #tpu.memory_space<vmem>>
      tpu.enqueue_dma source(%dma_start3A_327 : memref<400x128xf32, #tpu.memory_space<vmem>>) target(%dma_start3A_323 : memref<400x128xf32, #tpu.memory_space<hbm>>) target_semaphore(%arg25 : memref<!tpu.dma_semaphore, #tpu.memory_space<semaphore_mem>>)
      %mul3A_328 = arith.constant 2 : i32
      %mul3A_329 = arith.muli %mul3A_328, %scan3A_190 : i32
      %add3A_330 = arith.constant 2 : i32
      %add3A_331 = arith.addi %mul3A_329, %add3A_330 : i32
      %mul3A_332 = arith.constant 400 : i32
      %mul3A_333 = arith.muli %add3A_331, %mul3A_332 : i32
      %add3A_334 = arith.addi %mul3A_2, %mul3A_333 : i32
      %dma_start3A_335 = tpu.memref_slice %arg2[%add3A_334] : memref<320000xi32, #tpu.memory_space<hbm>> -> memref<400xi32, #tpu.memory_space<hbm>>
      %dma_start3A_336 = tpu.memref_slice %arg2[%add3A_334] : memref<320000xi32, #tpu.memory_space<hbm>> -> memref<400xi32, #tpu.memory_space<hbm>>
      tpu.enqueue_dma source(%dma_start3A_336 : memref<400xi32, #tpu.memory_space<hbm>>) target(%arg14 : memref<400xi32, #tpu.memory_space<vmem>>) target_semaphore(%arg23 : memref<!tpu.dma_semaphore, #tpu.memory_space<semaphore_mem>>)
      %mul3A_337 = arith.constant 400 : i32
      %mul3A_338 = arith.muli %add3A_331, %mul3A_337 : i32
      %add3A_339 = arith.addi %mul3A_2, %mul3A_338 : i32
      %dma_start3A_340 = tpu.memref_slice %arg3[%add3A_339] : memref<320000xi32, #tpu.memory_space<hbm>> -> memref<400xi32, #tpu.memory_space<hbm>>
      %dma_start3A_341 = tpu.memref_slice %arg3[%add3A_339] : memref<320000xi32, #tpu.memory_space<hbm>> -> memref<400xi32, #tpu.memory_space<hbm>>
      tpu.enqueue_dma source(%dma_start3A_341 : memref<400xi32, #tpu.memory_space<hbm>>) target(%arg16 : memref<400xi32, #tpu.memory_space<vmem>>) target_semaphore(%arg23 : memref<!tpu.dma_semaphore, #tpu.memory_space<semaphore_mem>>)
      %mul3A_342 = arith.constant 400 : i32
      %mul3A_343 = arith.muli %add3A_331, %mul3A_342 : i32
      %add3A_344 = arith.addi %mul3A_2, %mul3A_343 : i32
      %dma_start3A_345 = tpu.memref_slice %arg4[%add3A_344] : memref<320000xi32, #tpu.memory_space<hbm>> -> memref<400xi32, #tpu.memory_space<hbm>>
      %dma_start3A_346 = tpu.memref_slice %arg4[%add3A_344] : memref<320000xi32, #tpu.memory_space<hbm>> -> memref<400xi32, #tpu.memory_space<hbm>>
      tpu.enqueue_dma source(%dma_start3A_346 : memref<400xi32, #tpu.memory_space<hbm>>) target(%arg18 : memref<400xi32, #tpu.memory_space<vmem>>) target_semaphore(%arg23 : memref<!tpu.dma_semaphore, #tpu.memory_space<semaphore_mem>>)
      %dma_wait3A_347 = arith.constant 0 : i32
      %dma_wait3A_348 = tpu.memref_slice %arg2[%dma_wait3A_347] : memref<320000xi32, #tpu.memory_space<hbm>> -> memref<400xi32, #tpu.memory_space<hbm>>
      %dma_wait3A_349 = arith.constant 0 : i32
      %dma_wait3A_350 = tpu.memref_slice %arg2[%dma_wait3A_349] : memref<320000xi32, #tpu.memory_space<hbm>> -> memref<400xi32, #tpu.memory_space<hbm>>
      tpu.wait_dma2 semaphore(%arg23 : memref<!tpu.dma_semaphore, #tpu.memory_space<semaphore_mem>>) src(%dma_wait3A_350 : memref<400xi32, #tpu.memory_space<hbm>>) dst(%arg14 : memref<400xi32, #tpu.memory_space<vmem>>)
      %dma_wait3A_351 = arith.constant 0 : i32
      %dma_wait3A_352 = tpu.memref_slice %arg3[%dma_wait3A_351] : memref<320000xi32, #tpu.memory_space<hbm>> -> memref<400xi32, #tpu.memory_space<hbm>>
      %dma_wait3A_353 = arith.constant 0 : i32
      %dma_wait3A_354 = tpu.memref_slice %arg3[%dma_wait3A_353] : memref<320000xi32, #tpu.memory_space<hbm>> -> memref<400xi32, #tpu.memory_space<hbm>>
      tpu.wait_dma2 semaphore(%arg23 : memref<!tpu.dma_semaphore, #tpu.memory_space<semaphore_mem>>) src(%dma_wait3A_354 : memref<400xi32, #tpu.memory_space<hbm>>) dst(%arg16 : memref<400xi32, #tpu.memory_space<vmem>>)
      %dma_wait3A_355 = arith.constant 0 : i32
      %dma_wait3A_356 = tpu.memref_slice %arg4[%dma_wait3A_355] : memref<320000xi32, #tpu.memory_space<hbm>> -> memref<400xi32, #tpu.memory_space<hbm>>
      %dma_wait3A_357 = arith.constant 0 : i32
      %dma_wait3A_358 = tpu.memref_slice %arg4[%dma_wait3A_357] : memref<320000xi32, #tpu.memory_space<hbm>> -> memref<400xi32, #tpu.memory_space<hbm>>
      tpu.wait_dma2 semaphore(%arg23 : memref<!tpu.dma_semaphore, #tpu.memory_space<semaphore_mem>>) src(%dma_wait3A_358 : memref<400xi32, #tpu.memory_space<hbm>>) dst(%arg18 : memref<400xi32, #tpu.memory_space<vmem>>)
      %parallel_loop3A_359 = arith.constant 0 : i32
      %parallel_loop3A_360 = arith.constant 25 : i32
      %parallel_loop3A_361 = arith.constant 1 : i32
      scf.for %parallel_loop3A_502 = %parallel_loop3A_359 to %parallel_loop3A_360 step %parallel_loop3A_361  : i32 {
        %parallel_loop3A_503 = arith.constant 16 : i32
        %parallel_loop3A_504 = arith.muli %parallel_loop3A_503, %parallel_loop3A_502 : i32
        %parallel_loop3A_505 = arith.index_cast %parallel_loop3A_504 : i32 to index
        %parallel_loop3A_506 = tpu.vector_load %arg14[%parallel_loop3A_505] {strides = array<i32>} : memref<400xi32, #tpu.memory_space<vmem>>, vector<16xi32>,
        %parallel_loop3A_507 = vector.shape_cast %parallel_loop3A_506 : vector<16xi32> to vector<16xi32>
        %parallel_loop3A_508 = arith.constant 12 : i32
        %parallel_loop3A_509 = vector.broadcast %parallel_loop3A_508 : i32 to vector<16xi32>
        %parallel_loop3A_510 = arith.muli %parallel_loop3A_507, %parallel_loop3A_509 : vector<16xi32>
        %parallel_loop3A_511 = arith.index_cast %parallel_loop3A_504 : i32 to index
        %parallel_loop3A_512 = tpu.vector_load %arg16[%parallel_loop3A_511] {strides = array<i32>} : memref<400xi32, #tpu.memory_space<vmem>>, vector<16xi32>,
        %parallel_loop3A_513 = vector.shape_cast %parallel_loop3A_512 : vector<16xi32> to vector<16xi32>
        %parallel_loop3A_514 = arith.constant 2 : i32
        %parallel_loop3A_515 = vector.broadcast %parallel_loop3A_514 : i32 to vector<16xi32>
        %parallel_loop3A_516 = arith.muli %parallel_loop3A_513, %parallel_loop3A_515 : vector<16xi32>
        %parallel_loop3A_517 = arith.addi %parallel_loop3A_510, %parallel_loop3A_516 : vector<16xi32>
        %parallel_loop3A_518 = arith.index_cast %parallel_loop3A_504 : i32 to index
        %parallel_loop3A_519 = tpu.vector_load %arg18[%parallel_loop3A_518] {strides = array<i32>} : memref<400xi32, #tpu.memory_space<vmem>>, vector<16xi32>,
        %parallel_loop3A_520 = vector.shape_cast %parallel_loop3A_519 : vector<16xi32> to vector<16xi32>
        %parallel_loop3A_521 = arith.addi %parallel_loop3A_517, %parallel_loop3A_520 : vector<16xi32>
        %parallel_loop3A_522 = arith.index_cast %parallel_loop3A_504 : i32 to index
        %parallel_loop3A_523 = tpu.vector_load %arg20[%parallel_loop3A_522] {strides = array<i32>} : memref<400xi32, #tpu.memory_space<vmem>>, vector<16xi32>,
        %parallel_loop3A_524 = vector.shape_cast %parallel_loop3A_523 : vector<16xi32> to vector<16xi32>
        %parallel_loop3A_525 = vector.shape_cast %parallel_loop3A_521 : vector<16xi32> to vector<16xi32>
        tpu.vector_store %arg20[%parallel_loop3A_522], %parallel_loop3A_525 {strides = array<i32>} : memref<400xi32, #tpu.memory_space<vmem>>, vector<16xi32>,
      } {sc.loop_unroll_factor = 1 : i64, sc.parallel_access}
      %dma_wait3A_362 = arith.constant 0 : i32
      %dma_wait3A_363 = arith.constant 0 : i32
      %dma_wait3A_364 = arith.constant 0 : i32
      %dma_wait3A_365 = tpu.memref_slice %arg22[%dma_wait3A_362, %dma_wait3A_363, %dma_wait3A_364] : memref<2x400x128xf32, #tpu.memory_space<vmem>> -> memref<1x400x128xf32, #tpu.memory_space<vmem>>
      %dma_wait3A_366 = tpu.memref_squeeze %dma_wait3A_365 : memref<1x400x128xf32, #tpu.memory_space<vmem>> -> memref<400x128xf32, #tpu.memory_space<vmem>>
      %dma_wait3A_367 = arith.constant 0 : i32
      %dma_wait3A_368 = arith.constant 0 : i32
      %dma_wait3A_369 = tpu.memref_slice %arg8[%dma_wait3A_367, %dma_wait3A_368] : memref<320000x128xf32, #tpu.memory_space<hbm>> -> memref<400x128xf32, #tpu.memory_space<hbm>>
      %dma_wait3A_370 = arith.constant 0 : i32
      %dma_wait3A_371 = arith.constant 0 : i32
      %dma_wait3A_372 = tpu.memref_slice %arg8[%dma_wait3A_370, %dma_wait3A_371] : memref<320000x128xf32, #tpu.memory_space<hbm>> -> memref<400x128xf32, #tpu.memory_space<hbm>>
      %dma_wait3A_373 = arith.constant 0 : i32
      %dma_wait3A_374 = arith.constant 0 : i32
      %dma_wait3A_375 = tpu.memref_slice %arg22[%dma_wait3A_362, %dma_wait3A_373, %dma_wait3A_374] : memref<2x400x128xf32, #tpu.memory_space<vmem>> -> memref<1x400x128xf32, #tpu.memory_space<vmem>>
      %dma_wait3A_376 = tpu.memref_squeeze %dma_wait3A_375 : memref<1x400x128xf32, #tpu.memory_space<vmem>> -> memref<400x128xf32, #tpu.memory_space<vmem>>
      tpu.wait_dma2 semaphore(%arg25 : memref<!tpu.dma_semaphore, #tpu.memory_space<semaphore_mem>>) src(%dma_wait3A_376 : memref<400x128xf32, #tpu.memory_space<vmem>>) dst(%dma_wait3A_372 : memref<400x128xf32, #tpu.memory_space<hbm>>)
      %dma_start3A_377 = arith.constant 0 : i32
      %dma_start3A_378 = arith.constant 0 : i32
      %dma_start3A_379 = arith.constant 0 : i32
      %dma_start3A_380 = tpu.memref_slice %arg22[%dma_start3A_377, %dma_start3A_378, %dma_start3A_379] : memref<2x400x128xf32, #tpu.memory_space<vmem>> -> memref<1x80x128xf32, #tpu.memory_space<vmem>>
      %dma_start3A_381 = tpu.memref_squeeze %dma_start3A_380 : memref<1x80x128xf32, #tpu.memory_space<vmem>> -> memref<80x128xf32, #tpu.memory_space<vmem>>
      %dma_start3A_382 = arith.constant 0 : i32
      %dma_start3A_383 = tpu.memref_slice %arg20[%dma_start3A_382] : memref<400xi32, #tpu.memory_space<vmem>> -> memref<80xi32, #tpu.memory_space<vmem>>
      %dma_start3A_384 = arith.constant 0 : i32
      %dma_start3A_385 = arith.constant 0 : i32
      %dma_start3A_386 = tpu.memref_slice %arg13[%dma_start3A_384, %dma_start3A_385] : memref<64x128xf32, #tpu.memory_space<vmem_shared>> -> memref<64x128xf32, #tpu.memory_space<vmem_shared>>
      tpu.enqueue_indirect_dma source(%dma_start3A_386 : memref<64x128xf32, #tpu.memory_space<vmem_shared>>) target(%dma_start3A_381 : memref<80x128xf32, #tpu.memory_space<vmem>>) offsets(%dma_start3A_383 : memref<80xi32, #tpu.memory_space<vmem>>) semaphore(%arg27 : memref<!tpu.dma_semaphore, #tpu.memory_space<semaphore_mem>>)
      %dma_start3A_387 = arith.constant 0 : i32
      %dma_start3A_388 = arith.constant 80 : i32
      %dma_start3A_389 = arith.constant 0 : i32
      %dma_start3A_390 = tpu.memref_slice %arg22[%dma_start3A_387, %dma_start3A_388, %dma_start3A_389] : memref<2x400x128xf32, #tpu.memory_space<vmem>> -> memref<1x80x128xf32, #tpu.memory_space<vmem>>
      %dma_start3A_391 = tpu.memref_squeeze %dma_start3A_390 : memref<1x80x128xf32, #tpu.memory_space<vmem>> -> memref<80x128xf32, #tpu.memory_space<vmem>>
      %dma_start3A_392 = arith.constant 80 : i32
      %dma_start3A_393 = tpu.memref_slice %arg20[%dma_start3A_392] : memref<400xi32, #tpu.memory_space<vmem>> -> memref<80xi32, #tpu.memory_space<vmem>>
      %dma_start3A_394 = arith.constant 0 : i32
      %dma_start3A_395 = arith.constant 0 : i32
      %dma_start3A_396 = tpu.memref_slice %arg13[%dma_start3A_394, %dma_start3A_395] : memref<64x128xf32, #tpu.memory_space<vmem_shared>> -> memref<64x128xf32, #tpu.memory_space<vmem_shared>>
      tpu.enqueue_indirect_dma source(%dma_start3A_396 : memref<64x128xf32, #tpu.memory_space<vmem_shared>>) target(%dma_start3A_391 : memref<80x128xf32, #tpu.memory_space<vmem>>) offsets(%dma_start3A_393 : memref<80xi32, #tpu.memory_space<vmem>>) semaphore(%arg27 : memref<!tpu.dma_semaphore, #tpu.memory_space<semaphore_mem>>)
      %dma_start3A_397 = arith.constant 0 : i32
      %dma_start3A_398 = arith.constant 160 : i32
      %dma_start3A_399 = arith.constant 0 : i32
      %dma_start3A_400 = tpu.memref_slice %arg22[%dma_start3A_397, %dma_start3A_398, %dma_start3A_399] : memref<2x400x128xf32, #tpu.memory_space<vmem>> -> memref<1x80x128xf32, #tpu.memory_space<vmem>>
      %dma_start3A_401 = tpu.memref_squeeze %dma_start3A_400 : memref<1x80x128xf32, #tpu.memory_space<vmem>> -> memref<80x128xf32, #tpu.memory_space<vmem>>
      %dma_start3A_402 = arith.constant 160 : i32
      %dma_start3A_403 = tpu.memref_slice %arg20[%dma_start3A_402] : memref<400xi32, #tpu.memory_space<vmem>> -> memref<80xi32, #tpu.memory_space<vmem>>
      %dma_start3A_404 = arith.constant 0 : i32
      %dma_start3A_405 = arith.constant 0 : i32
      %dma_start3A_406 = tpu.memref_slice %arg13[%dma_start3A_404, %dma_start3A_405] : memref<64x128xf32, #tpu.memory_space<vmem_shared>> -> memref<64x128xf32, #tpu.memory_space<vmem_shared>>
      tpu.enqueue_indirect_dma source(%dma_start3A_406 : memref<64x128xf32, #tpu.memory_space<vmem_shared>>) target(%dma_start3A_401 : memref<80x128xf32, #tpu.memory_space<vmem>>) offsets(%dma_start3A_403 : memref<80xi32, #tpu.memory_space<vmem>>) semaphore(%arg27 : memref<!tpu.dma_semaphore, #tpu.memory_space<semaphore_mem>>)
      %dma_start3A_407 = arith.constant 0 : i32
      %dma_start3A_408 = arith.constant 240 : i32
      %dma_start3A_409 = arith.constant 0 : i32
      %dma_start3A_410 = tpu.memref_slice %arg22[%dma_start3A_407, %dma_start3A_408, %dma_start3A_409] : memref<2x400x128xf32, #tpu.memory_space<vmem>> -> memref<1x80x128xf32, #tpu.memory_space<vmem>>
      %dma_start3A_411 = tpu.memref_squeeze %dma_start3A_410 : memref<1x80x128xf32, #tpu.memory_space<vmem>> -> memref<80x128xf32, #tpu.memory_space<vmem>>
      %dma_start3A_412 = arith.constant 240 : i32
      %dma_start3A_413 = tpu.memref_slice %arg20[%dma_start3A_412] : memref<400xi32, #tpu.memory_space<vmem>> -> memref<80xi32, #tpu.memory_space<vmem>>
      %dma_start3A_414 = arith.constant 0 : i32
      %dma_start3A_415 = arith.constant 0 : i32
      %dma_start3A_416 = tpu.memref_slice %arg13[%dma_start3A_414, %dma_start3A_415] : memref<64x128xf32, #tpu.memory_space<vmem_shared>> -> memref<64x128xf32, #tpu.memory_space<vmem_shared>>
      tpu.enqueue_indirect_dma source(%dma_start3A_416 : memref<64x128xf32, #tpu.memory_space<vmem_shared>>) target(%dma_start3A_411 : memref<80x128xf32, #tpu.memory_space<vmem>>) offsets(%dma_start3A_413 : memref<80xi32, #tpu.memory_space<vmem>>) semaphore(%arg27 : memref<!tpu.dma_semaphore, #tpu.memory_space<semaphore_mem>>)
      %dma_start3A_417 = arith.constant 0 : i32
      %dma_start3A_418 = arith.constant 320 : i32
      %dma_start3A_419 = arith.constant 0 : i32
      %dma_start3A_420 = tpu.memref_slice %arg22[%dma_start3A_417, %dma_start3A_418, %dma_start3A_419] : memref<2x400x128xf32, #tpu.memory_space<vmem>> -> memref<1x80x128xf32, #tpu.memory_space<vmem>>
      %dma_start3A_421 = tpu.memref_squeeze %dma_start3A_420 : memref<1x80x128xf32, #tpu.memory_space<vmem>> -> memref<80x128xf32, #tpu.memory_space<vmem>>
      %dma_start3A_422 = arith.constant 320 : i32
      %dma_start3A_423 = tpu.memref_slice %arg20[%dma_start3A_422] : memref<400xi32, #tpu.memory_space<vmem>> -> memref<80xi32, #tpu.memory_space<vmem>>
      %dma_start3A_424 = arith.constant 0 : i32
      %dma_start3A_425 = arith.constant 0 : i32
      %dma_start3A_426 = tpu.memref_slice %arg13[%dma_start3A_424, %dma_start3A_425] : memref<64x128xf32, #tpu.memory_space<vmem_shared>> -> memref<64x128xf32, #tpu.memory_space<vmem_shared>>
      tpu.enqueue_indirect_dma source(%dma_start3A_426 : memref<64x128xf32, #tpu.memory_space<vmem_shared>>) target(%dma_start3A_421 : memref<80x128xf32, #tpu.memory_space<vmem>>) offsets(%dma_start3A_423 : memref<80xi32, #tpu.memory_space<vmem>>) semaphore(%arg27 : memref<!tpu.dma_semaphore, #tpu.memory_space<semaphore_mem>>)
      %dma_wait3A_427 = arith.constant 1 : i32
      %dma_wait3A_428 = arith.constant 0 : i32
      %dma_wait3A_429 = arith.constant 0 : i32
      %dma_wait3A_430 = tpu.memref_slice %arg22[%dma_wait3A_427, %dma_wait3A_428, %dma_wait3A_429] : memref<2x400x128xf32, #tpu.memory_space<vmem>> -> memref<1x80x128xf32, #tpu.memory_space<vmem>>
      %dma_wait3A_431 = tpu.memref_squeeze %dma_wait3A_430 : memref<1x80x128xf32, #tpu.memory_space<vmem>> -> memref<80x128xf32, #tpu.memory_space<vmem>>
      %dma_wait3A_432 = arith.constant 0 : i32
      %dma_wait3A_433 = tpu.memref_slice %arg21[%dma_wait3A_432] : memref<400xi32, #tpu.memory_space<vmem>> -> memref<80xi32, #tpu.memory_space<vmem>>
      %dma_wait3A_434 = arith.constant 0 : i32
      %dma_wait3A_435 = arith.constant 0 : i32
      %dma_wait3A_436 = tpu.memref_slice %arg13[%dma_wait3A_434, %dma_wait3A_435] : memref<64x128xf32, #tpu.memory_space<vmem_shared>> -> memref<64x128xf32, #tpu.memory_space<vmem_shared>>
      tpu.wait_indirect_dma semaphore(%arg28 : memref<!tpu.dma_semaphore, #tpu.memory_space<semaphore_mem>>) src(%dma_wait3A_436 : memref<64x128xf32, #tpu.memory_space<vmem_shared>>) dst(%dma_wait3A_431 : memref<80x128xf32, #tpu.memory_space<vmem>>)
      %dma_wait3A_437 = arith.constant 1 : i32
      %dma_wait3A_438 = arith.constant 0 : i32
      %dma_wait3A_439 = arith.constant 0 : i32
      %dma_wait3A_440 = tpu.memref_slice %arg22[%dma_wait3A_437, %dma_wait3A_438, %dma_wait3A_439] : memref<2x400x128xf32, #tpu.memory_space<vmem>> -> memref<1x80x128xf32, #tpu.memory_space<vmem>>
      %dma_wait3A_441 = tpu.memref_squeeze %dma_wait3A_440 : memref<1x80x128xf32, #tpu.memory_space<vmem>> -> memref<80x128xf32, #tpu.memory_space<vmem>>
      %dma_wait3A_442 = arith.constant 0 : i32
      %dma_wait3A_443 = tpu.memref_slice %arg21[%dma_wait3A_442] : memref<400xi32, #tpu.memory_space<vmem>> -> memref<80xi32, #tpu.memory_space<vmem>>
      %dma_wait3A_444 = arith.constant 0 : i32
      %dma_wait3A_445 = arith.constant 0 : i32
      %dma_wait3A_446 = tpu.memref_slice %arg13[%dma_wait3A_444, %dma_wait3A_445] : memref<64x128xf32, #tpu.memory_space<vmem_shared>> -> memref<64x128xf32, #tpu.memory_space<vmem_shared>>
      tpu.wait_indirect_dma semaphore(%arg28 : memref<!tpu.dma_semaphore, #tpu.memory_space<semaphore_mem>>) src(%dma_wait3A_446 : memref<64x128xf32, #tpu.memory_space<vmem_shared>>) dst(%dma_wait3A_441 : memref<80x128xf32, #tpu.memory_space<vmem>>)
      %dma_wait3A_447 = arith.constant 1 : i32
      %dma_wait3A_448 = arith.constant 0 : i32
      %dma_wait3A_449 = arith.constant 0 : i32
      %dma_wait3A_450 = tpu.memref_slice %arg22[%dma_wait3A_447, %dma_wait3A_448, %dma_wait3A_449] : memref<2x400x128xf32, #tpu.memory_space<vmem>> -> memref<1x80x128xf32, #tpu.memory_space<vmem>>
      %dma_wait3A_451 = tpu.memref_squeeze %dma_wait3A_450 : memref<1x80x128xf32, #tpu.memory_space<vmem>> -> memref<80x128xf32, #tpu.memory_space<vmem>>
      %dma_wait3A_452 = arith.constant 0 : i32
      %dma_wait3A_453 = tpu.memref_slice %arg21[%dma_wait3A_452] : memref<400xi32, #tpu.memory_space<vmem>> -> memref<80xi32, #tpu.memory_space<vmem>>
      %dma_wait3A_454 = arith.constant 0 : i32
      %dma_wait3A_455 = arith.constant 0 : i32
      %dma_wait3A_456 = tpu.memref_slice %arg13[%dma_wait3A_454, %dma_wait3A_455] : memref<64x128xf32, #tpu.memory_space<vmem_shared>> -> memref<64x128xf32, #tpu.memory_space<vmem_shared>>
      tpu.wait_indirect_dma semaphore(%arg28 : memref<!tpu.dma_semaphore, #tpu.memory_space<semaphore_mem>>) src(%dma_wait3A_456 : memref<64x128xf32, #tpu.memory_space<vmem_shared>>) dst(%dma_wait3A_451 : memref<80x128xf32, #tpu.memory_space<vmem>>)
      %dma_wait3A_457 = arith.constant 1 : i32
      %dma_wait3A_458 = arith.constant 0 : i32
      %dma_wait3A_459 = arith.constant 0 : i32
      %dma_wait3A_460 = tpu.memref_slice %arg22[%dma_wait3A_457, %dma_wait3A_458, %dma_wait3A_459] : memref<2x400x128xf32, #tpu.memory_space<vmem>> -> memref<1x80x128xf32, #tpu.memory_space<vmem>>
      %dma_wait3A_461 = tpu.memref_squeeze %dma_wait3A_460 : memref<1x80x128xf32, #tpu.memory_space<vmem>> -> memref<80x128xf32, #tpu.memory_space<vmem>>
      %dma_wait3A_462 = arith.constant 0 : i32
      %dma_wait3A_463 = tpu.memref_slice %arg21[%dma_wait3A_462] : memref<400xi32, #tpu.memory_space<vmem>> -> memref<80xi32, #tpu.memory_space<vmem>>
      %dma_wait3A_464 = arith.constant 0 : i32
      %dma_wait3A_465 = arith.constant 0 : i32
      %dma_wait3A_466 = tpu.memref_slice %arg13[%dma_wait3A_464, %dma_wait3A_465] : memref<64x128xf32, #tpu.memory_space<vmem_shared>> -> memref<64x128xf32, #tpu.memory_space<vmem_shared>>
      tpu.wait_indirect_dma semaphore(%arg28 : memref<!tpu.dma_semaphore, #tpu.memory_space<semaphore_mem>>) src(%dma_wait3A_466 : memref<64x128xf32, #tpu.memory_space<vmem_shared>>) dst(%dma_wait3A_461 : memref<80x128xf32, #tpu.memory_space<vmem>>)
      %dma_wait3A_467 = arith.constant 1 : i32
      %dma_wait3A_468 = arith.constant 0 : i32
      %dma_wait3A_469 = arith.constant 0 : i32
      %dma_wait3A_470 = tpu.memref_slice %arg22[%dma_wait3A_467, %dma_wait3A_468, %dma_wait3A_469] : memref<2x400x128xf32, #tpu.memory_space<vmem>> -> memref<1x80x128xf32, #tpu.memory_space<vmem>>
      %dma_wait3A_471 = tpu.memref_squeeze %dma_wait3A_470 : memref<1x80x128xf32, #tpu.memory_space<vmem>> -> memref<80x128xf32, #tpu.memory_space<vmem>>
      %dma_wait3A_472 = arith.constant 0 : i32
      %dma_wait3A_473 = tpu.memref_slice %arg21[%dma_wait3A_472] : memref<400xi32, #tpu.memory_space<vmem>> -> memref<80xi32, #tpu.memory_space<vmem>>
      %dma_wait3A_474 = arith.constant 0 : i32
      %dma_wait3A_475 = arith.constant 0 : i32
      %dma_wait3A_476 = tpu.memref_slice %arg13[%dma_wait3A_474, %dma_wait3A_475] : memref<64x128xf32, #tpu.memory_space<vmem_shared>> -> memref<64x128xf32, #tpu.memory_space<vmem_shared>>
      tpu.wait_indirect_dma semaphore(%arg28 : memref<!tpu.dma_semaphore, #tpu.memory_space<semaphore_mem>>) src(%dma_wait3A_476 : memref<64x128xf32, #tpu.memory_space<vmem_shared>>) dst(%dma_wait3A_471 : memref<80x128xf32, #tpu.memory_space<vmem>>)
      %mul3A_477 = arith.constant 2 : i32
      %mul3A_478 = arith.muli %mul3A_477, %scan3A_190 : i32
      %add3A_479 = arith.constant 1 : i32
      %add3A_480 = arith.addi %mul3A_478, %add3A_479 : i32
      %mul3A_481 = arith.constant 400 : i32
      %mul3A_482 = arith.muli %add3A_480, %mul3A_481 : i32
      %add3A_483 = arith.addi %mul3A_2, %mul3A_482 : i32
      %dma_start3A_484 = arith.constant 1 : i32
      %dma_start3A_485 = arith.constant 0 : i32
      %dma_start3A_486 = arith.constant 0 : i32
      %dma_start3A_487 = tpu.memref_slice %arg22[%dma_start3A_484, %dma_start3A_485, %dma_start3A_486] : memref<2x400x128xf32, #tpu.memory_space<vmem>> -> memref<1x400x128xf32, #tpu.memory_space<vmem>>
      %dma_start3A_488 = tpu.memref_squeeze %dma_start3A_487 : memref<1x400x128xf32, #tpu.memory_space<vmem>> -> memref<400x128xf32, #tpu.memory_space<vmem>>
      %dma_start3A_489 = arith.constant 0 : i32
      %dma_start3A_490 = tpu.memref_slice %arg8[%add3A_483, %dma_start3A_489] : memref<320000x128xf32, #tpu.memory_space<hbm>> -> memref<400x128xf32, #tpu.memory_space<hbm>>
      %dma_start3A_491 = arith.constant 0 : i32
      %dma_start3A_492 = tpu.memref_slice %arg8[%add3A_483, %dma_start3A_491] : memref<320000x128xf32, #tpu.memory_space<hbm>> -> memref<400x128xf32, #tpu.memory_space<hbm>>
      %dma_start3A_493 = arith.constant 0 : i32
      %dma_start3A_494 = arith.constant 0 : i32
      %dma_start3A_495 = tpu.memref_slice %arg22[%dma_start3A_484, %dma_start3A_493, %dma_start3A_494] : memref<2x400x128xf32, #tpu.memory_space<vmem>> -> memref<1x400x128xf32, #tpu.memory_space<vmem>>
      %dma_start3A_496 = tpu.memref_squeeze %dma_start3A_495 : memref<1x400x128xf32, #tpu.memory_space<vmem>> -> memref<400x128xf32, #tpu.memory_space<vmem>>
      tpu.enqueue_dma source(%dma_start3A_496 : memref<400x128xf32, #tpu.memory_space<vmem>>) target(%dma_start3A_492 : memref<400x128xf32, #tpu.memory_space<hbm>>) target_semaphore(%arg26 : memref<!tpu.dma_semaphore, #tpu.memory_space<semaphore_mem>>)
      %lt3A_497 = arith.constant 11 : i32
      %lt3A_498 = arith.cmpi slt, %scan3A_190, %lt3A_497 : i32
      %convert_element_type3A_499 = arith.extui %lt3A_498 : i1 to i32
      %cond3A_500 = arith.constant 0 : i32
      %cond3A_501 = arith.cmpi ne, %convert_element_type3A_499, %cond3A_500 : i32
      scf.if %cond3A_501 {
        %mul3A_502 = arith.constant 2 : i32
        %mul3A_503 = arith.muli %mul3A_502, %scan3A_190 : i32
        %add3A_504 = arith.constant 3 : i32
        %add3A_505 = arith.addi %mul3A_503, %add3A_504 : i32
        %mul3A_506 = arith.constant 400 : i32
        %mul3A_507 = arith.muli %add3A_505, %mul3A_506 : i32
        %add3A_508 = arith.addi %mul3A_2, %mul3A_507 : i32
        %dma_start3A_509 = tpu.memref_slice %arg2[%add3A_508] : memref<320000xi32, #tpu.memory_space<hbm>> -> memref<400xi32, #tpu.memory_space<hbm>>
        %dma_start3A_510 = tpu.memref_slice %arg2[%add3A_508] : memref<320000xi32, #tpu.memory_space<hbm>> -> memref<400xi32, #tpu.memory_space<hbm>>
        tpu.enqueue_dma source(%dma_start3A_510 : memref<400xi32, #tpu.memory_space<hbm>>) target(%arg15 : memref<400xi32, #tpu.memory_space<vmem>>) target_semaphore(%arg24 : memref<!tpu.dma_semaphore, #tpu.memory_space<semaphore_mem>>)
        %mul3A_511 = arith.constant 400 : i32
        %mul3A_512 = arith.muli %add3A_505, %mul3A_511 : i32
        %add3A_513 = arith.addi %mul3A_2, %mul3A_512 : i32
        %dma_start3A_514 = tpu.memref_slice %arg3[%add3A_513] : memref<320000xi32, #tpu.memory_space<hbm>> -> memref<400xi32, #tpu.memory_space<hbm>>
        %dma_start3A_515 = tpu.memref_slice %arg3[%add3A_513] : memref<320000xi32, #tpu.memory_space<hbm>> -> memref<400xi32, #tpu.memory_space<hbm>>
        tpu.enqueue_dma source(%dma_start3A_515 : memref<400xi32, #tpu.memory_space<hbm>>) target(%arg17 : memref<400xi32, #tpu.memory_space<vmem>>) target_semaphore(%arg24 : memref<!tpu.dma_semaphore, #tpu.memory_space<semaphore_mem>>)
        %mul3A_516 = arith.constant 400 : i32
        %mul3A_517 = arith.muli %add3A_505, %mul3A_516 : i32
        %add3A_518 = arith.addi %mul3A_2, %mul3A_517 : i32
        %dma_start3A_519 = tpu.memref_slice %arg4[%add3A_518] : memref<320000xi32, #tpu.memory_space<hbm>> -> memref<400xi32, #tpu.memory_space<hbm>>
        %dma_start3A_520 = tpu.memref_slice %arg4[%add3A_518] : memref<320000xi32, #tpu.memory_space<hbm>> -> memref<400xi32, #tpu.memory_space<hbm>>
        tpu.enqueue_dma source(%dma_start3A_520 : memref<400xi32, #tpu.memory_space<hbm>>) target(%arg19 : memref<400xi32, #tpu.memory_space<vmem>>) target_semaphore(%arg24 : memref<!tpu.dma_semaphore, #tpu.memory_space<semaphore_mem>>)
      } else {
      }
    }
    %scan3A_94 = arith.constant 12 : i32
    %dma_wait3A_95 = arith.constant 0 : i32
    %dma_wait3A_96 = arith.constant 0 : i32
    %dma_wait3A_97 = arith.constant 0 : i32
    %dma_wait3A_98 = tpu.memref_slice %arg22[%dma_wait3A_95, %dma_wait3A_96, %dma_wait3A_97] : memref<2x400x128xf32, #tpu.memory_space<vmem>> -> memref<1x80x128xf32, #tpu.memory_space<vmem>>
    %dma_wait3A_99 = tpu.memref_squeeze %dma_wait3A_98 : memref<1x80x128xf32, #tpu.memory_space<vmem>> -> memref<80x128xf32, #tpu.memory_space<vmem>>
    %dma_wait3A_100 = arith.constant 0 : i32
    %dma_wait3A_101 = tpu.memref_slice %arg20[%dma_wait3A_100] : memref<400xi32, #tpu.memory_space<vmem>> -> memref<80xi32, #tpu.memory_space<vmem>>
    %dma_wait3A_102 = arith.constant 0 : i32
    %dma_wait3A_103 = arith.constant 0 : i32
    %dma_wait3A_104 = tpu.memref_slice %arg13[%dma_wait3A_102, %dma_wait3A_103] : memref<64x128xf32, #tpu.memory_space<vmem_shared>> -> memref<64x128xf32, #tpu.memory_space<vmem_shared>>
    tpu.wait_indirect_dma semaphore(%arg27 : memref<!tpu.dma_semaphore, #tpu.memory_space<semaphore_mem>>) src(%dma_wait3A_104 : memref<64x128xf32, #tpu.memory_space<vmem_shared>>) dst(%dma_wait3A_99 : memref<80x128xf32, #tpu.memory_space<vmem>>)
    %dma_wait3A_105 = arith.constant 0 : i32
    %dma_wait3A_106 = arith.constant 0 : i32
    %dma_wait3A_107 = arith.constant 0 : i32
    %dma_wait3A_108 = tpu.memref_slice %arg22[%dma_wait3A_105, %dma_wait3A_106, %dma_wait3A_107] : memref<2x400x128xf32, #tpu.memory_space<vmem>> -> memref<1x80x128xf32, #tpu.memory_space<vmem>>
    %dma_wait3A_109 = tpu.memref_squeeze %dma_wait3A_108 : memref<1x80x128xf32, #tpu.memory_space<vmem>> -> memref<80x128xf32, #tpu.memory_space<vmem>>
    %dma_wait3A_110 = arith.constant 0 : i32
    %dma_wait3A_111 = tpu.memref_slice %arg20[%dma_wait3A_110] : memref<400xi32, #tpu.memory_space<vmem>> -> memref<80xi32, #tpu.memory_space<vmem>>
    %dma_wait3A_112 = arith.constant 0 : i32
    %dma_wait3A_113 = arith.constant 0 : i32
    %dma_wait3A_114 = tpu.memref_slice %arg13[%dma_wait3A_112, %dma_wait3A_113] : memref<64x128xf32, #tpu.memory_space<vmem_shared>> -> memref<64x128xf32, #tpu.memory_space<vmem_shared>>
    tpu.wait_indirect_dma semaphore(%arg27 : memref<!tpu.dma_semaphore, #tpu.memory_space<semaphore_mem>>) src(%dma_wait3A_114 : memref<64x128xf32, #tpu.memory_space<vmem_shared>>) dst(%dma_wait3A_109 : memref<80x128xf32, #tpu.memory_space<vmem>>)
    %dma_wait3A_115 = arith.constant 0 : i32
    %dma_wait3A_116 = arith.constant 0 : i32
    %dma_wait3A_117 = arith.constant 0 : i32
    %dma_wait3A_118 = tpu.memref_slice %arg22[%dma_wait3A_115, %dma_wait3A_116, %dma_wait3A_117] : memref<2x400x128xf32, #tpu.memory_space<vmem>> -> memref<1x80x128xf32, #tpu.memory_space<vmem>>
    %dma_wait3A_119 = tpu.memref_squeeze %dma_wait3A_118 : memref<1x80x128xf32, #tpu.memory_space<vmem>> -> memref<80x128xf32, #tpu.memory_space<vmem>>
    %dma_wait3A_120 = arith.constant 0 : i32
    %dma_wait3A_121 = tpu.memref_slice %arg20[%dma_wait3A_120] : memref<400xi32, #tpu.memory_space<vmem>> -> memref<80xi32, #tpu.memory_space<vmem>>
    %dma_wait3A_122 = arith.constant 0 : i32
    %dma_wait3A_123 = arith.constant 0 : i32
    %dma_wait3A_124 = tpu.memref_slice %arg13[%dma_wait3A_122, %dma_wait3A_123] : memref<64x128xf32, #tpu.memory_space<vmem_shared>> -> memref<64x128xf32, #tpu.memory_space<vmem_shared>>
    tpu.wait_indirect_dma semaphore(%arg27 : memref<!tpu.dma_semaphore, #tpu.memory_space<semaphore_mem>>) src(%dma_wait3A_124 : memref<64x128xf32, #tpu.memory_space<vmem_shared>>) dst(%dma_wait3A_119 : memref<80x128xf32, #tpu.memory_space<vmem>>)
    %dma_wait3A_125 = arith.constant 0 : i32
    %dma_wait3A_126 = arith.constant 0 : i32
    %dma_wait3A_127 = arith.constant 0 : i32
    %dma_wait3A_128 = tpu.memref_slice %arg22[%dma_wait3A_125, %dma_wait3A_126, %dma_wait3A_127] : memref<2x400x128xf32, #tpu.memory_space<vmem>> -> memref<1x80x128xf32, #tpu.memory_space<vmem>>
    %dma_wait3A_129 = tpu.memref_squeeze %dma_wait3A_128 : memref<1x80x128xf32, #tpu.memory_space<vmem>> -> memref<80x128xf32, #tpu.memory_space<vmem>>
    %dma_wait3A_130 = arith.constant 0 : i32
    %dma_wait3A_131 = tpu.memref_slice %arg20[%dma_wait3A_130] : memref<400xi32, #tpu.memory_space<vmem>> -> memref<80xi32, #tpu.memory_space<vmem>>
    %dma_wait3A_132 = arith.constant 0 : i32
    %dma_wait3A_133 = arith.constant 0 : i32
    %dma_wait3A_134 = tpu.memref_slice %arg13[%dma_wait3A_132, %dma_wait3A_133] : memref<64x128xf32, #tpu.memory_space<vmem_shared>> -> memref<64x128xf32, #tpu.memory_space<vmem_shared>>
    tpu.wait_indirect_dma semaphore(%arg27 : memref<!tpu.dma_semaphore, #tpu.memory_space<semaphore_mem>>) src(%dma_wait3A_134 : memref<64x128xf32, #tpu.memory_space<vmem_shared>>) dst(%dma_wait3A_129 : memref<80x128xf32, #tpu.memory_space<vmem>>)
    %dma_wait3A_135 = arith.constant 0 : i32
    %dma_wait3A_136 = arith.constant 0 : i32
    %dma_wait3A_137 = arith.constant 0 : i32
    %dma_wait3A_138 = tpu.memref_slice %arg22[%dma_wait3A_135, %dma_wait3A_136, %dma_wait3A_137] : memref<2x400x128xf32, #tpu.memory_space<vmem>> -> memref<1x80x128xf32, #tpu.memory_space<vmem>>
    %dma_wait3A_139 = tpu.memref_squeeze %dma_wait3A_138 : memref<1x80x128xf32, #tpu.memory_space<vmem>> -> memref<80x128xf32, #tpu.memory_space<vmem>>
    %dma_wait3A_140 = arith.constant 0 : i32
    %dma_wait3A_141 = tpu.memref_slice %arg20[%dma_wait3A_140] : memref<400xi32, #tpu.memory_space<vmem>> -> memref<80xi32, #tpu.memory_space<vmem>>
    %dma_wait3A_142 = arith.constant 0 : i32
    %dma_wait3A_143 = arith.constant 0 : i32
    %dma_wait3A_144 = tpu.memref_slice %arg13[%dma_wait3A_142, %dma_wait3A_143] : memref<64x128xf32, #tpu.memory_space<vmem_shared>> -> memref<64x128xf32, #tpu.memory_space<vmem_shared>>
    tpu.wait_indirect_dma semaphore(%arg27 : memref<!tpu.dma_semaphore, #tpu.memory_space<semaphore_mem>>) src(%dma_wait3A_144 : memref<64x128xf32, #tpu.memory_space<vmem_shared>>) dst(%dma_wait3A_139 : memref<80x128xf32, #tpu.memory_space<vmem>>)
    %add3A_145 = arith.constant 9600 : i32
    %add3A_146 = arith.addi %mul3A_2, %add3A_145 : i32
    %dma_start3A_147 = arith.constant 0 : i32
    %dma_start3A_148 = arith.constant 0 : i32
    %dma_start3A_149 = arith.constant 0 : i32
    %dma_start3A_150 = tpu.memref_slice %arg22[%dma_start3A_147, %dma_start3A_148, %dma_start3A_149] : memref<2x400x128xf32, #tpu.memory_space<vmem>> -> memref<1x400x128xf32, #tpu.memory_space<vmem>>
    %dma_start3A_151 = tpu.memref_squeeze %dma_start3A_150 : memref<1x400x128xf32, #tpu.memory_space<vmem>> -> memref<400x128xf32, #tpu.memory_space<vmem>>
    %dma_start3A_152 = arith.constant 0 : i32
    %dma_start3A_153 = tpu.memref_slice %arg8[%add3A_146, %dma_start3A_152] : memref<320000x128xf32, #tpu.memory_space<hbm>> -> memref<400x128xf32, #tpu.memory_space<hbm>>
    %dma_start3A_154 = arith.constant 0 : i32
    %dma_start3A_155 = tpu.memref_slice %arg8[%add3A_146, %dma_start3A_154] : memref<320000x128xf32, #tpu.memory_space<hbm>> -> memref<400x128xf32, #tpu.memory_space<hbm>>
    %dma_start3A_156 = arith.constant 0 : i32
    %dma_start3A_157 = arith.constant 0 : i32
    %dma_start3A_158 = tpu.memref_slice %arg22[%dma_start3A_147, %dma_start3A_156, %dma_start3A_157] : memref<2x400x128xf32, #tpu.memory_space<vmem>> -> memref<1x400x128xf32, #tpu.memory_space<vmem>>
    %dma_start3A_159 = tpu.memref_squeeze %dma_start3A_158 : memref<1x400x128xf32, #tpu.memory_space<vmem>> -> memref<400x128xf32, #tpu.memory_space<vmem>>
    tpu.enqueue_dma source(%dma_start3A_159 : memref<400x128xf32, #tpu.memory_space<vmem>>) target(%dma_start3A_155 : memref<400x128xf32, #tpu.memory_space<hbm>>) target_semaphore(%arg25 : memref<!tpu.dma_semaphore, #tpu.memory_space<semaphore_mem>>)
    %dma_wait3A_160 = arith.constant 1 : i32
    %dma_wait3A_161 = arith.constant 0 : i32
    %dma_wait3A_162 = arith.constant 0 : i32
    %dma_wait3A_163 = tpu.memref_slice %arg22[%dma_wait3A_160, %dma_wait3A_161, %dma_wait3A_162] : memref<2x400x128xf32, #tpu.memory_space<vmem>> -> memref<1x400x128xf32, #tpu.memory_space<vmem>>
    %dma_wait3A_164 = tpu.memref_squeeze %dma_wait3A_163 : memref<1x400x128xf32, #tpu.memory_space<vmem>> -> memref<400x128xf32, #tpu.memory_space<vmem>>
    %dma_wait3A_165 = arith.constant 0 : i32
    %dma_wait3A_166 = arith.constant 0 : i32
    %dma_wait3A_167 = tpu.memref_slice %arg8[%dma_wait3A_165, %dma_wait3A_166] : memref<320000x128xf32, #tpu.memory_space<hbm>> -> memref<400x128xf32, #tpu.memory_space<hbm>>
    %dma_wait3A_168 = arith.constant 0 : i32
    %dma_wait3A_169 = arith.constant 0 : i32
    %dma_wait3A_170 = tpu.memref_slice %arg8[%dma_wait3A_168, %dma_wait3A_169] : memref<320000x128xf32, #tpu.memory_space<hbm>> -> memref<400x128xf32, #tpu.memory_space<hbm>>
    %dma_wait3A_171 = arith.constant 0 : i32
    %dma_wait3A_172 = arith.constant 0 : i32
    %dma_wait3A_173 = tpu.memref_slice %arg22[%dma_wait3A_160, %dma_wait3A_171, %dma_wait3A_172] : memref<2x400x128xf32, #tpu.memory_space<vmem>> -> memref<1x400x128xf32, #tpu.memory_space<vmem>>
    %dma_wait3A_174 = tpu.memref_squeeze %dma_wait3A_173 : memref<1x400x128xf32, #tpu.memory_space<vmem>> -> memref<400x128xf32, #tpu.memory_space<vmem>>
    tpu.wait_dma2 semaphore(%arg26 : memref<!tpu.dma_semaphore, #tpu.memory_space<semaphore_mem>>) src(%dma_wait3A_174 : memref<400x128xf32, #tpu.memory_space<vmem>>) dst(%dma_wait3A_170 : memref<400x128xf32, #tpu.memory_space<hbm>>)
    %dma_wait3A_175 = arith.constant 0 : i32
    %dma_wait3A_176 = arith.constant 0 : i32
    %dma_wait3A_177 = arith.constant 0 : i32
    %dma_wait3A_178 = tpu.memref_slice %arg22[%dma_wait3A_175, %dma_wait3A_176, %dma_wait3A_177] : memref<2x400x128xf32, #tpu.memory_space<vmem>> -> memref<1x400x128xf32, #tpu.memory_space<vmem>>
    %dma_wait3A_179 = tpu.memref_squeeze %dma_wait3A_178 : memref<1x400x128xf32, #tpu.memory_space<vmem>> -> memref<400x128xf32, #tpu.memory_space<vmem>>
    %dma_wait3A_180 = arith.constant 0 : i32
    %dma_wait3A_181 = arith.constant 0 : i32
    %dma_wait3A_182 = tpu.memref_slice %arg8[%dma_wait3A_180, %dma_wait3A_181] : memref<320000x128xf32, #tpu.memory_space<hbm>> -> memref<400x128xf32, #tpu.memory_space<hbm>>
    %dma_wait3A_183 = arith.constant 0 : i32
    %dma_wait3A_184 = arith.constant 0 : i32
    %dma_wait3A_185 = tpu.memref_slice %arg8[%dma_wait3A_183, %dma_wait3A_184] : memref<320000x128xf32, #tpu.memory_space<hbm>> -> memref<400x128xf32, #tpu.memory_space<hbm>>
    %dma_wait3A_186 = arith.constant 0 : i32
    %dma_wait3A_187 = arith.constant 0 : i32
    %dma_wait3A_188 = tpu.memref_slice %arg22[%dma_wait3A_175, %dma_wait3A_186, %dma_wait3A_187] : memref<2x400x128xf32, #tpu.memory_space<vmem>> -> memref<1x400x128xf32, #tpu.memory_space<vmem>>
    %dma_wait3A_189 = tpu.memref_squeeze %dma_wait3A_188 : memref<1x400x128xf32, #tpu.memory_space<vmem>> -> memref<400x128xf32, #tpu.memory_space<vmem>>
    tpu.wait_dma2 semaphore(%arg25 : memref<!tpu.dma_semaphore, #tpu.memory_space<semaphore_mem>>) src(%dma_wait3A_189 : memref<400x128xf32, #tpu.memory_space<vmem>>) dst(%dma_wait3A_185 : memref<400x128xf32, #tpu.memory_space<hbm>>)
    return
  }
}

</mosaic_0001>

<sc_bundles>
// kernel: kernel.3.cloned.1.call-start
scs
__scs_entry_jumppad:
0x0: {  	(pc) =	sbr.rel $0x88, $3  }
0x1: {  	(tag) =	ssettag $0x0;
	lr =	simm.s32 $0x1  }
0x2: {  	[smem:$0x3F9D] =	sst lr;
	_ =	strace $0xD0000000  }
0x3: {  	_ = 	snop  }
0x4: {  	_ = 	snop  }
0x5: {  	_ = 	snop  }
0x6: {  	_ = 	snop  }
0x7: {  	_ = 	snop  }
__scs_overlays_trampoline_lowered:
0x8: {  	[smem:$0x3FAC] =	sst s0  }
0x9: {  	[smem:$0x3FAD] =	sst s1  }
0xa: {  	[smem:$0x3FAE] =	sst s2  }
0xb: {  	[smem:$0x3FAF] =	sst s3  }
0xc: {  	[smem:$0x3FB0] =	sst s4  }
0xd: {  	[smem:$0x3FB1] =	sst s5  }
0xe: {  	[smem:$0x3FB2] =	sst s6  }
0xf: {  	[smem:$0x3FB3] =	sst s7  }
0x10: {  	[smem:$0x3FB4] =	sst s8  }
0x11: {  	[smem:$0x3FB5] =	sst s9;
	s0 =	simm.s32 @!p0 $0x0  }
0x12: {  	s1 =	sld [smem:$0x3F9B];
	s0 =	simm.s32 @p0 $0x1  }
0x13: {  	[smem:$0x3FB6] =	sst s0;
	s0 =	simm.s32 @!p1 $0x0  }
0x14: {  	s2 =	sld [smem:$0x3F9A];
	s0 =	simm.s32 @p1 $0x1  }
0x15: {  	[smem:$0x3FB7] =	sst s0;
	s0 =	simm.s32 @!p2 $0x0  }
0x16: {  	s3 =	sld [smem:$0x3FDB];
	s0 =	simm.s32 @p2 $0x1  }
0x17: {  	s4 =	simm.s32 $0x1BF5;
	[smem:$0x3FB9] =	sst s0  }
0x18: {  	s0 =	sld [smem:$0x3F9C];
	_ =	swait.ge [sflag:s4], $0x0  }
0x19: {  	s7 =	sld [smem:$0x3F9D]  }
0x1a: {  	s8 =	sadd.s32 $0xFFFFE003, lr  }
0x1b: {  	s9 =	sadd.s32 $0xFFFFFEF7, lr;
	s5 =	simm.s32 $0xFFFFFFFF;
	p2 =	slt.u32 s8, $0xFFFFF086  }
0x1c: {  	p1 =	slt.u32 s9, $0xF7A;
	s5 =	simm.s32 @!p2 $0x0  }
0x1d: {  	s5 =	simm.s32 @p1 $0x1;
	p0 =	seq.s32 s7, s2  }
0x1e: {  	s7 =	smul.u32 @!p0 $0xF7A, s2;
	p2 =	seq.s32 @!p0 s5, $0x0  }
0x1f: {  	s9 =	smul.u32 $0xF7A, s1;
	s8 =	simm.s32 @!p0 $0x1BF5;
	p2 =	por !p2, p0  }
0x20: {  	[sflag:s8] =	ssyncset.s32 @!p0 $0xFFFFF086;
	s6 =	sadd.s32 @!p0 s3, s7;
	s7 =	simm.s32 @!p0 $0x108  }
0x21: {  	s3 =	sadd.s32 s3, s9;
	s6 =	sadd.s32 @!p0 $0x88, s6;
	s7 =	simm.s32 @p2 $0x1082  }
0x22: {  	[simem:s7], [sflag:s8] =	dma.local @!p0 [hbm:s6], $0xF7A  }
0x23: {  	s9 =	sor.u32 $0xD0000000, s2;
	s6 =	simm.s32 $0x108;
	_ =	swait.ge @!p0 [sflag:s8], $0x0  }
0x24: {  	s3 =	sadd.s32 $0x88, s3;
	s6 =	simm.s32 @!p1 $0x1082;
	[sflag:s4] =	ssyncset.s32 $0xFFFFF086  }
0x25: {  	[simem:s6], [sflag:s4] =	dma.local [hbm:s3], $0xF7A  }
0x26: {  	[smem:$0x3F9D] =	sst s1;
	(tag) =	ssettag s2;
	_ =	strace s9  }
0x27: {  	s1 =	sld [smem:$0x3FAD]  }
0x28: {  	s2 =	sld [smem:$0x3FAE]  }
0x29: {  	s4 =	sld [smem:$0x3FB0]  }
0x2a: {  	p0 =	seq.s32 s5, $0x0;
	s5 =	sld [smem:$0x3FB1]  }
0x2b: {  	s6 =	sld [smem:$0x3FB2]  }
0x2c: {  	s7 =	sld [smem:$0x3FB3]  }
0x2d: {  	s3 =	simm.s32 $0x108;
	s8 =	sld [smem:$0x3FB4]  }
0x2e: {  	s3 =	simm.s32 @!p0 $0x1082;
	s9 =	sld [smem:$0x3FB5]  }
0x2f: {  	lr =	sadd.s32 s0, s3;
	s0 =	sld [smem:$0x3FAC]  }
0x30: {  	s3 =	sld [smem:$0x3FAF]  }
0x31: {  	[smem:$0x3FB8] =	sst s10  }
0x32: {  	s10 =	sld [smem:$0x3FB6];
	_ =	sdelay $0x3  }
0x33: {  	p0 =	seq.s32 s10, $0x1;
	s10 =	sld [smem:$0x3FB8];
	_ =	sdelay $0x3  }
0x34: {  	[smem:$0x3FB8] =	sst s10  }
0x35: {  	s10 =	sld [smem:$0x3FB7];
	_ =	sdelay $0x3  }
0x36: {  	p1 =	seq.s32 s10, $0x1;
	s10 =	sld [smem:$0x3FB8];
	_ =	sdelay $0x3  }
0x37: {  	[smem:$0x3FB8] =	sst s10  }
0x38: {  	s10 =	sld [smem:$0x3FB9]  }
0x39: {  	_ = 	snop;
	(pc) =	sbr.ind lr, $3  }
0x3a: {  	_ = 	snop  }
0x3b: {  	_ = 	snop  }
0x3c: {  	p2 =	seq.s32 s10, $0x1;
	s10 =	sld [smem:$0x3FB8]  }
0x3d: {  	_ =	shalt  }
0x3e: {  	_ =	shalt  }
0x3f: {  	_ =	shalt  }
0x40: {  	_ =	shalt  }
0x41: {  	_ =	shalt  }
0x42: {  	_ =	shalt  }
0x43: {  	_ =	shalt  }
0x44: {  	_ =	shalt  }
0x45: {  	_ =	shalt  }
0x46: {  	_ =	shalt  }
0x47: {  	_ =	shalt  }
0x48: {  	_ =	shalt  }
0x49: {  	_ =	shalt  }
0x4a: {  	_ =	shalt  }
0x4b: {  	_ =	shalt  }
0x4c: {  	_ =	shalt  }
0x4d: {  	_ =	shalt  }
0x4e: {  	_ =	shalt  }
0x4f: {  	_ =	shalt  }
0x50: {  	_ =	shalt  }
0x51: {  	_ =	shalt  }
0x52: {  	_ =	shalt  }
0x53: {  	_ =	shalt  }
0x54: {  	_ =	shalt  }
0x55: {  	_ =	shalt  }
0x56: {  	_ =	shalt  }
0x57: {  	_ =	shalt  }
0x58: {  	_ =	shalt  }
0x59: {  	_ =	shalt  }
0x5a: {  	_ =	shalt  }
0x5b: {  	_ =	shalt  }
0x5c: {  	_ =	shalt  }
0x5d: {  	_ =	shalt  }
0x5e: {  	_ =	shalt  }
0x5f: {  	_ =	shalt  }
0x60: {  	_ =	shalt  }
0x61: {  	_ =	shalt  }
0x62: {  	_ =	shalt  }
0x63: {  	_ =	shalt  }
0x64: {  	_ =	shalt  }
0x65: {  	_ =	shalt  }
0x66: {  	_ =	shalt  }
0x67: {  	_ =	shalt  }
0x68: {  	_ =	shalt  }
0x69: {  	_ =	shalt  }
0x6a: {  	_ =	shalt  }
0x6b: {  	_ =	shalt  }
0x6c: {  	_ =	shalt  }
0x6d: {  	_ =	shalt  }
0x6e: {  	_ =	shalt  }
0x6f: {  	_ =	shalt  }
0x70: {  	_ =	shalt  }
0x71: {  	_ =	shalt  }
0x72: {  	_ =	shalt  }
0x73: {  	_ =	shalt  }
0x74: {  	_ =	shalt  }
0x75: {  	_ =	shalt  }
0x76: {  	_ =	shalt  }
0x77: {  	_ =	shalt  }
0x78: {  	_ =	shalt  }
0x79: {  	_ =	shalt  }
0x7a: {  	_ =	shalt  }
0x7b: {  	_ =	shalt  }
0x7c: {  	_ =	shalt  }
0x7d: {  	_ =	shalt  }
0x7e: {  	_ =	shalt  }
0x7f: {  	_ =	shalt  }
0x80: {  	_ =	shalt  }
0x81: {  	_ =	shalt  }
0x82: {  	_ =	shalt  }
0x83: {  	_ =	shalt  }
0x84: {  	_ =	shalt  }
0x85: {  	_ =	shalt  }
0x86: {  	_ =	shalt  }
0x87: {  	_ =	shalt  }
.Lfunc_end0:
.L_simem_size_0:
called_computation_lowered:
.L_overlay_start_0:
0x88: {  	s2 =	sld [smem:$0x3FD9]  }
0x89: {  	s3 =	sld [smem:$0x3FFE];
	_ =	sdelay $0x1  }
0x8a: {  	s1 =	srdreg.scid  }
0x8b: {  	s0 =	sand.u32 $0x1, s1  }
0x8c: {  	s17 =	sshll.u32 s0, $0xA;
	s2 =	sadd.s32 s3, s2  }
0x8d: {  	s2 =	sadd.s32 s2, s17  }
0x8e: {  	[smem:$0x3FC4] =	sst s2  }
0x8f: {  	_ = 	snop  }
0x90: {  	s2 =	sld [smem:$0x3FC8]  }
0x91: {  	s18 =	sld [smem:$0x3FC7]  }
0x92: {  	s4 =	sld [smem:$0x3FC6]  }
0x93: {  	s5 =	sld [smem:$0x3FD0];
	(tm) =	ssettm $0x1  }
0x94: {  	s6 =	sld [smem:$0x3FFB];
	_ =	sdelay $0x3  }
0x95: {  	_ =	strace s6  }
0x96: {  	s6 =	sld [smem:$0x3FFC];
	_ =	sdelay $0x3  }
0x97: {  	_ =	strace s6  }
0x98: {  	s6 =	sld [smem:$0x3FFD];
	_ =	sdelay $0x3  }
0x99: {  	_ =	strace s6  }
0x9a: {  	_ =	strace $0x8FFFFFFF  }
0x9b: {  	s19 =	sld [smem:$0x3FDB];
	_ =	sdelay $0x1  }
0x9c: {  	s7 =	simm.s32 $_scs_section_size  }
0x9d: {  	s8 =	simm.s32 $_size__tile_overlayer_lowered;
	s9 =	simm.s32 $_tile_overlayer_lowered  }
0x9e: {  	s22 =	simm.s32 $0x1BFF;
	s21 =	sshll.u32 s9, $0x1;
	s6 =	sadd.s32 s7, s19  }
0x9f: {  	s10 =	simm.s32 $0x0;
	s20 =	sshll.u32 s8, $0x1;
	s8 =	sadd.s32 s21, s6  }
0xa0: {  	[timem:s10], [sflag:s22] =	dma.local [hbm:s8], s20  }
0xa1: {  	_ =	swait.ge [sflag:s22], s20  }
0xa2: {  	s7 =	ssub.s32 $0x0, s20;
	[sflag:s22] =	ssyncset.done $0x0  }
0xa3: {  	[sflag:s22] =	ssyncadd.s32 s7;
	_ =	sdelay $0x1  }
0xa4: {  	s23 =	simm.s32 $0x1B8B  }
0xa5: {  	_ =	swait.ge [sflag:s23], $0x1  }
0xa6: {  	[sflag:s23] =	ssyncset.done $0x0  }
0xa7: {  	s25 =	simm.s32 $0x1B8E;
	s24 =	sld [smem:$0x3FFE];
	[sflag:s23] =	ssyncadd.s32 $0xFFFFFFFF  }
0xa8: {  	s26 =	simm.s32 $execute0_lowered;
	[smem:$0x3FD2] =	sst s25  }
0xa9: {  	s8 =	sshll.u32 s26, $0x1;
	_ =	strace $0x80000046;
	[dreg:$0x1] =	wrdreg $0xFFFFFFFF  }
0xaa: {  	s28 =	simm.s32 $_size_execute0_lowered;
	s6 =	sadd.s32 s6, s8;
	[dreg:$0x0] =	wrdreg $0x0  }
0xab: {  	s8 =	sshll.u32 s28, $0x1;
	[dreg:$0x2] =	wrdreg s6  }
0xac: {  	[dreg:$0x3] =	wrdreg s8  }
0xad: {  	[dreg:$0x4] =	wrdreg $0xC0  }
0xae: {  	_ =	task [dreg:s10], $0x5FFFF  }
0xaf: {  	[dreg:$0x1] =	wrdreg $0xFFFFFFFF  }
0xb0: {  	[dreg:$0x0] =	wrdreg $0x60  }
0xb1: {  	[dreg:$0x2] =	wrdreg s24  }
0xb2: {  	[dreg:$0x3] =	wrdreg s2  }
0xb3: {  	[dreg:$0x4] =	wrdreg s18  }
0xb4: {  	[dreg:$0x5] =	wrdreg s4  }
0xb5: {  	[dreg:$0x6] =	wrdreg s5  }
0xb6: {  	[dreg:$0x7] =	wrdreg $0xD000  }
0xb7: {  	[dreg:$0x8] =	wrdreg $0x9  }
0xb8: {  	_ =	task.clear_ibuf [dreg:s10], $0x9FFFF;
	_ =	strace $0x90000046  }
0xb9: {  	s29 =	simm.s32 $0x9;
	_ =	strace $0x80000048  }
0xba: {  	_ =	swait.ge [sflag:s29], $0x1  }
0xbb: {  	[sflag:s29] =	ssyncadd.s32 $0xFFFFFFFF  }
0xbc: {  	_ =	strace $0x90000048  }
0xbd: {  	_ =	sfence  }
0xbe: {  	s30 =	sld [smem:$0x0];
	_ =	sdelay $0x2  }
0xbf: {  	s31 =	sshll.u32 s1, $0xD;
	s1 =	sshrl.u32 s1, $0x2  }
0xc0: {  	s3 =	sand.u32 $0x4000, s31;
	s1 =	sadd.s32 s1, s30  }
0xc1: {  	s0 =	sor.u32 s3, s0;
	s1 =	sshll.u32 s1, $0x11  }
0xc2: {  	s0 =	sor.u32 s1, s0  }
0xc3: {  	s0 =	sadd.s32 $0x8F2B, s0  }
0xc4: {  	[sflag:s0] =	ssyncadd.remote.s32 $0x1  }
0xc5: {  	_ =	sfence.sel $0xFFFF  }
0xc6: {  	[dreg:$0x0] =	wrdreg $0xFFFFFFFF;
	(pc) =	sbr.abs _section_cstart, $3  }
0xc7: {  	[dreg:$0x1] =	wrdreg $0xFFFFFFFF  }
0xc8: {  	_ =	task.clear_ibuf [dreg:s10], $0x2FFFF;
	_ =	strace $0x9FFFFFFF  }
0xc9: {  	(tm) =	ssettm $0x7FFFFFFF  }
tec
execute0_lowered:
.L_overlay_start_1:
0x0: {  	(tag) =	ssettag $0x1  }
0x1: {  	s1 =	rddreg [dreg:$0x0]  }
0x2: {  	s6 =	rddreg [dreg:$0x4]  }
0x3: {  	s7 =	rddreg [dreg:$0x5]  }
0x4: {  	s0 =	srdreg.scid;
	s5 =	stileid.u32;
	s8 =	simm.s32 $0x0  }
0x5: {  	s20 =	simm.s32 $0x1F00;
	s23 =	simm.s32 $0xBF00;
	s24 =	simm.s32 $0x2  }
0x6: {  	s29 =	simm.s32 $0xE700;
	s28 =	simm.s32 $0x6;
	s0 =	sand.u32 $0x1, s0  }
0x7: {  	s2 =	sshll.u32 s5, $0x1;
	[smem:$0x7FF] =	sst s8;
	s10 =	sadd.s32 $0x13C00, s1  }
0x8: {  	s11 =	sadd.s32 $0x9E00, s1;
	s26 =	sshll.u32 s5, $0xA;
	s19 =	sshll.u32 s5, $0x3  }
0x9: {  	p0 =	sgt.u32 s5, $0x7;
	s2 =	sor.u32 s0, s2;
	s0 =	ssub.s32 $0x2, s0  }
0xa: {  	s5 =	simm.s32 $0x50;
	s9 =	smul.u32 $0x2710, s2;
	s3 =	sshrl.u32 s0, $0x1  }
0xb: {  	_ =	strace $0x80000047;
	s2 =	smul.u32 $0x138800, s2;
	s0 =	ssub.s32 s0, s3  }
0xc: {  	s3 =	sadd.s32 s26, s7;
	s26 =	simm.s32 $0x3;
	s25 =	sshrl.u32 s9, $0x3  }
0xd: {  	s12 =	sadd.s32 $0x190, s9;
	[dreg:$0xd] =	wrdreg s3;
	s0 =	smax.u32 s0, $0x1  }
0xe: {  	s2 =	sshrl.u32 s2, $0x3;
	s16 =	sadd.s32 s10, s25;
	[dreg:$0xf] =	wrdreg s0  }
0xf: {  	s17 =	sadd.s32 s11, s25;
	s4 =	sshrl.u32 s12, $0x3;
	[dreg:$0x7] =	wrdreg s16  }
0x10: {  	s18 =	sadd.s32 s1, s25;
	s2 =	sadd.s32 s6, s2;
	[dreg:$0x8] =	wrdreg s17  }
.Ltmp0:
0x11: {  	s2 =	sadd.s32 $0x25800, s2;
	[dreg:$0x9] =	wrdreg s18;
	(pc) =	sbr.rel .LBB2_1-.Ltmp0, $4  }
0x12: {  	s21 =	sadd.s32 $0x320, s9;
	s30 =	sadd.s32 s10, s4;
	[dreg:$0xe] =	wrdreg s2  }
0x13: {  	s22 =	sadd.s32 $0x4B0, s9;
	s31 =	sadd.s32 s11, s4;
	[dreg:$0xa] =	wrdreg s30  }
0x14: {  	s3 =	simm.s32 $0x1;
	s4 =	sadd.s32 s1, s4;
	[dreg:$0xb] =	wrdreg s31  }
0x15: {  	s25 =	simm.s32 $0x5;
	s2 =	simm.s32 $0x0;
	[dreg:$0xc] =	wrdreg s4  }
.LBB2_14:
0x16: {  	_ =	swait.ge [sflag:s25], $0x2800  }
0x17: {  	[sflag:s25] =	ssyncset.done $0x0  }
0x18: {  	[sflag:s25] =	ssyncadd.s32 $0xFFFFD800  }
0x19: {  	_ =	swait.ge [sflag:s25], $0x2800  }
0x1a: {  	[sflag:s25] =	ssyncset.done $0x0  }
0x1b: {  	[sflag:s25] =	ssyncadd.s32 $0xFFFFD800  }
0x1c: {  	_ =	swait.ge [sflag:s25], $0x2800  }
0x1d: {  	[sflag:s25] =	ssyncset.done $0x0  }
0x1e: {  	[sflag:s25] =	ssyncadd.s32 $0xFFFFD800  }
0x1f: {  	_ =	swait.ge [sflag:s25], $0x2800  }
0x20: {  	[sflag:s25] =	ssyncset.done $0x0  }
0x21: {  	[sflag:s25] =	ssyncadd.s32 $0xFFFFD800  }
0x22: {  	_ =	swait.ge [sflag:s25], $0x2800  }
0x23: {  	[sflag:s25] =	ssyncset.done $0x0  }
0x24: {  	s14 =	simm.s32 $0x4;
	s0 =	rddreg [dreg:$0xe];
	[sflag:s25] =	ssyncadd.s32 $0xFFFFD800  }
0x25: {  	[hbm4b:s0+s8] =	stream.linear.scatter [tilespmem:s20], [sflag:$0x3], $0xC800, $0x38;
	[tilespmem:$0x1AF00] =	vst v63  }
0x26: {  	_ =	swait.ge [sflag:s14], $0xC800  }
0x27: {  	[sflag:s14] =	ssyncset.done $0x0  }
0x28: {  	[sflag:s14] =	ssyncadd.s32 $0xFFFF3800  }
0x29: {  	_ =	swait.ge [sflag:s26], $0xC800  }
0x2a: {  	s2 =	rddreg [dreg:$0x10]  }
0x2b: {  	s15 =	rddreg [dreg:$0xf];
	s2 =	sadd.s32 $0x1, s2  }
0x2c: {  	p1 =	sne.s32 s2, s15  }
.Ltmp1:
0x2d: {  	_ = 	snop;
	(pc) =	sbr.rel @!p1 .LBB2_15-.Ltmp1, $3  }
0x2e: {  	_ =	sdelay $0x1  }
0x2f: {  	[sflag:s26] =	ssyncset.done $0x0  }
0x30: {  	s4 =	rddreg [dreg:$0xc];
	[sflag:s26] =	ssyncadd.s32 $0xFFFF3800  }
.LBB2_1:
0x31: {  	s0 =	simm.s32 $0xF00  }
0x32: {  	[tilespmem:s0], [sflag:$0x1] =	stream.linear.gather [hbm4b:s16+s8], $0x190, $0x38;
	[tilespmem:$0x1AF00] =	vst v63  }
0x33: {  	s15 =	simm.s32 $0x1300  }
0x34: {  	[tilespmem:s15], [sflag:$0x1] =	stream.linear.gather [hbm4b:s17+s8], $0x190, $0x38;
	[tilespmem:$0x1AF00] =	vst v63  }
0x35: {  	[dreg:$0x10] =	wrdreg s2;
	s2 =	simm.s32 $0x1700  }
0x36: {  	[tilespmem:s2], [sflag:$0x1] =	stream.linear.gather [hbm4b:s18+s8], $0x190, $0x38;
	[tilespmem:$0x1AF00] =	vst v63  }
0x37: {  	s13 =	simm.s32 $0x1100  }
0x38: {  	[tilespmem:s13], [sflag:$0x2] =	stream.linear.gather [hbm4b:s30+s8], $0x190, $0x38;
	[tilespmem:$0x1AF00] =	vst v63  }
.Ltmp2:
0x39: {  	_ = 	snop;
	(pc) =	sbr.rel @p0 .LBB2_5-.Ltmp2, $4  }
0x3a: {  	s14 =	simm.s32 $0x1500  }
0x3b: {  	[tilespmem:s14], [sflag:$0x2] =	stream.linear.gather [hbm4b:s31+s8], $0x190, $0x38;
	[tilespmem:$0x1AF00] =	vst v63  }
0x3c: {  	s15 =	simm.s32 $0x1900  }
0x3d: {  	[tilespmem:s15], [sflag:$0x2] =	stream.linear.gather [hbm4b:s4+s8], $0x190, $0x38;
	[tilespmem:$0x1AF00] =	vst v63  }
0x3e: {  	s0 =	simm.s32 $0x0;
	s2 =	rddreg [dreg:$0x1]  }
0x3f: {  	[tilespmem:s0], [sflag:$0x7] =	stream.linear.gather [hbm4b:s2+s0], $0x280, $0x38;
	[tilespmem:$0x1AF00] =	vst v63  }
0x40: {  	s2 =	sadd.s32 $0x0, s19  }
0x41: {  	s14 =	rddreg [dreg:$0x2];
	s4 =	simm.s32 $0x400;
	p1 =	slt.s32 s2, $0x3B  }
0x42: {  	[tilespmem:s4], [sflag:$0x7] =	stream.linear.gather [hbm4b:s14+s0], $0x300, $0x38;
	[tilespmem:$0x1AF00] =	vst v63  }
0x43: {  	s2 =	simm.s32 @!p1 $0x3B  }
0x44: {  	s13 =	rddreg [dreg:$0x3];
	s14 =	simm.s32 $0x800;
	s15 =	smulhi.u32 $0xAAAAAAAB, s2  }
0x45: {  	[tilespmem:s14], [sflag:$0x7] =	stream.linear.gather [hbm4b:s13+s0], $0x100, $0x38;
	[tilespmem:$0x1AF00] =	vst v63  }
0x46: {  	s17 =	simm.s32 $0x7;
	s16 =	sshrl.u32 s15, $0x3  }
0x47: {  	_ =	swait.ge [sflag:s17], $0x280;
	s0 =	smul.u32 $0xFFFFFFF4, s16  }
0x48: {  	s18 =	sand.u32 $0x1, s2;
	[sflag:s17] =	ssyncset.done $0x0  }
0x49: {  	p2 =	seq.s32 s18, $0x1;
	[sflag:s17] =	ssyncadd.s32 $0xFFFFFD80;
	s0 =	sadd.s32 s2, s0  }
0x4a: {  	s13 =	simm.s32 $0x1;
	_ =	swait.ge [sflag:s17], $0x300;
	p6 =	slt.s32 s0, $0x1  }
0x4b: {  	[sflag:s17] =	ssyncset.done $0x0;
	s2 =	sshrl.u32 s0, $0x1F;
	p1 =	por !p6, !p2  }
0x4c: {  	s2 =	sadd.s32 s2, s0;
	[sflag:s17] =	ssyncadd.s32 $0xFFFFFD00;
	p1 =	por !p1, !p1  }
0x4d: {  	s2 =	sshra.s32 s2, $0x1;
	_ =	swait.ge [sflag:s17], $0x100;
	s13 =	simm.s32 @!p1 $0x0  }
0x4e: {  	s4 =	sshll.u32 s15, $0x4;
	[sflag:s17] =	ssyncset.done $0x0;
	s2 =	ssub.s32 s2, s13  }
0x4f: {  	s4 =	sand.u32 $0x3FFFFF80, s4;
	[sflag:s17] =	ssyncadd.s32 $0xFFFFFF00;
	s13 =	sshll.u32 s2, $0x9  }
0x50: {  	v1 =	vld [tilespmem:s4+$0x0];
	s13 =	sshra.s32 s13, $0x2  }
0x51: {  	s0 =	sshll.u32 s0, $0x7;
	s2 =	sshll.u32 s2, $0x8;
	v0 =	vld [tilespmem:s13+$0x400]  }
0x52: {  	s30 =	ssub.s32 s0, s2  }
0x53: {  	v2 =	vld [tilespmem:s30+$0x800];
	_ =	sdelay $0x2  }
0x54: {  	v0 =	vadd.f32 v0, v1;
	_ =	sdelay $0x1  }
0x55: {  	v0 =	vadd.f32 v2, v0  }
0x56: {  	s2 =	simm.s32 $0x940  }
0x57: {  	[tilespmem:s2+$0xFFFFFFC0] =	vst v0  }
0x58: {  	v0 =	vld [tilespmem:s4+$0x10]  }
0x59: {  	v1 =	vld [tilespmem:s13+$0x410];
	_ =	sdelay $0x1  }
0x5a: {  	v2 =	vld [tilespmem:s30+$0x810];
	_ =	sdelay $0x2  }
0x5b: {  	v0 =	vadd.f32 v1, v0;
	_ =	sdelay $0x1  }
0x5c: {  	v0 =	vadd.f32 v2, v0;
	_ =	sdelay $0x1  }
0x5d: {  	[tilespmem:s2+$0xFFFFFFD0] =	vst v0  }
0x5e: {  	v0 =	vld [tilespmem:s4+$0x20]  }
0x5f: {  	v1 =	vld [tilespmem:s13+$0x420];
	_ =	sdelay $0x1  }
0x60: {  	v2 =	vld [tilespmem:s30+$0x820];
	_ =	sdelay $0x2  }
0x61: {  	v0 =	vadd.f32 v1, v0;
	_ =	sdelay $0x1  }
0x62: {  	v0 =	vadd.f32 v2, v0;
	_ =	sdelay $0x1  }
0x63: {  	[tilespmem:s2+$0xFFFFFFE0] =	vst v0  }
0x64: {  	v0 =	vld [tilespmem:s4+$0x30]  }
0x65: {  	v1 =	vld [tilespmem:s13+$0x430];
	_ =	sdelay $0x1  }
0x66: {  	v2 =	vld [tilespmem:s30+$0x830];
	_ =	sdelay $0x2  }
0x67: {  	v0 =	vadd.f32 v1, v0;
	_ =	sdelay $0x1  }
0x68: {  	v0 =	vadd.f32 v2, v0;
	_ =	sdelay $0x1  }
0x69: {  	[tilespmem:s2+$0xFFFFFFF0] =	vst v0  }
0x6a: {  	v0 =	vld [tilespmem:s4+$0x40]  }
0x6b: {  	v1 =	vld [tilespmem:s13+$0x440];
	_ =	sdelay $0x1  }
0x6c: {  	v2 =	vld [tilespmem:s30+$0x840];
	_ =	sdelay $0x2  }
0x6d: {  	v0 =	vadd.f32 v1, v0;
	_ =	sdelay $0x1  }
0x6e: {  	v0 =	vadd.f32 v2, v0;
	_ =	sdelay $0x1  }
0x6f: {  	[tilespmem:s2+$0x0] =	vst v0  }
0x70: {  	v0 =	vld [tilespmem:s4+$0x50]  }
0x71: {  	v1 =	vld [tilespmem:s13+$0x450];
	_ =	sdelay $0x1  }
0x72: {  	v2 =	vld [tilespmem:s30+$0x850];
	_ =	sdelay $0x2  }
0x73: {  	v0 =	vadd.f32 v1, v0;
	_ =	sdelay $0x1  }
0x74: {  	v0 =	vadd.f32 v2, v0;
	_ =	sdelay $0x1  }
0x75: {  	[tilespmem:s2+$0x10] =	vst v0  }
0x76: {  	v0 =	vld [tilespmem:s4+$0x60]  }
0x77: {  	v1 =	vld [tilespmem:s13+$0x460];
	_ =	sdelay $0x1  }
0x78: {  	v2 =	vld [tilespmem:s30+$0x860];
	_ =	sdelay $0x2  }
0x79: {  	s16 =	sadd.s32 $0x1, s19;
	v0 =	vadd.f32 v1, v0  }
0x7a: {  	p1 =	slt.s32 s16, $0x3B  }
0x7b: {  	s16 =	simm.s32 @!p1 $0x3B;
	v0 =	vadd.f32 v2, v0  }
0x7c: {  	s15 =	smulhi.u32 $0xAAAAAAAB, s16  }
0x7d: {  	[tilespmem:s2+$0x20] =	vst v0  }
0x7e: {  	s31 =	simm.s32 $0x2;
	s17 =	sand.u32 $0x1, s16;
	s18 =	sshrl.u32 s15, $0x3;
	v0 =	vld [tilespmem:s4+$0x70]  }
0x7f: {  	s15 =	sshll.u32 s15, $0x4;
	s14 =	smul.u32 $0xFFFFFFF4, s18;
	v1 =	vld [tilespmem:s13+$0x470];
	s4 =	simm.s32 $0x940  }
.LBB2_3:
0x80: {  	p1 =	sne.s32 s31, $0x7  }
0x81: {  	v2 =	vld [tilespmem:s30+$0x870];
	s2 =	sadd.s32 $0x80, s2;
	s0 =	smov.u32 s31;
	s31 =	sadd.s32 $0x1, s31  }
0x82: {  	s16 =	sadd.s32 s16, s14  }
0x83: {  	p3 =	seq.s32 s17, $0x1;
	s13 =	sshrl.u32 s16, $0x1F;
	p2 =	slt.s32 s16, $0x1  }
0x84: {  	s13 =	sadd.s32 s13, s16;
	p2 =	por !p2, !p3  }
0x85: {  	s14 =	simm.s32 $0x1;
	p2 =	por !p2, !p2;
	v0 =	vadd.f32 v1, v0  }
0x86: {  	s13 =	sshra.s32 s13, $0x1;
	s14 =	simm.s32 @!p2 $0x0  }
0x87: {  	s13 =	ssub.s32 s13, s14;
	v0 =	vadd.f32 v2, v0  }
0x88: {  	s14 =	sshll.u32 s13, $0x9;
	s17 =	sshll.u32 s13, $0x8  }
0x89: {  	s13 =	sshra.s32 s14, $0x2;
	[tilespmem:s4+$0x30] =	vst v0;
	s4 =	smov.u32 s2  }
0x8a: {  	s14 =	sand.u32 $0x3FFFFF80, s15;
	s15 =	sshll.u32 s16, $0x7;
	v0 =	vld [tilespmem:s13+$0x400]  }
0x8b: {  	s30 =	ssub.s32 s15, s17;
	v1 =	vld [tilespmem:s14+$0x0]  }
0x8c: {  	v2 =	vld [tilespmem:s30+$0x800];
	_ =	sdelay $0x3  }
0x8d: {  	v0 =	vadd.f32 v0, v1;
	_ =	sdelay $0x1  }
0x8e: {  	v0 =	vadd.f32 v2, v0;
	_ =	sdelay $0x1  }
0x8f: {  	[tilespmem:s2+$0xFFFFFFC0] =	vst v0  }
0x90: {  	v0 =	vld [tilespmem:s14+$0x10]  }
0x91: {  	v1 =	vld [tilespmem:s13+$0x410];
	_ =	sdelay $0x1  }
0x92: {  	v2 =	vld [tilespmem:s30+$0x810];
	_ =	sdelay $0x2  }
0x93: {  	v0 =	vadd.f32 v1, v0;
	_ =	sdelay $0x1  }
0x94: {  	v0 =	vadd.f32 v2, v0;
	_ =	sdelay $0x1  }
0x95: {  	[tilespmem:s2+$0xFFFFFFD0] =	vst v0  }
0x96: {  	v0 =	vld [tilespmem:s14+$0x20]  }
0x97: {  	v1 =	vld [tilespmem:s13+$0x420];
	_ =	sdelay $0x1  }
0x98: {  	v2 =	vld [tilespmem:s30+$0x820];
	_ =	sdelay $0x2  }
0x99: {  	v0 =	vadd.f32 v1, v0;
	_ =	sdelay $0x1  }
0x9a: {  	v0 =	vadd.f32 v2, v0;
	_ =	sdelay $0x1  }
0x9b: {  	[tilespmem:s2+$0xFFFFFFE0] =	vst v0  }
0x9c: {  	v0 =	vld [tilespmem:s14+$0x30]  }
0x9d: {  	v1 =	vld [tilespmem:s13+$0x430]  }
0x9e: {  	v2 =	vld [tilespmem:s30+$0x830];
	_ =	sdelay $0x3  }
0x9f: {  	v0 =	vadd.f32 v1, v0;
	_ =	sdelay $0x1  }
0xa0: {  	v0 =	vadd.f32 v2, v0;
	_ =	sdelay $0x1  }
0xa1: {  	[tilespmem:s2+$0xFFFFFFF0] =	vst v0  }
0xa2: {  	v0 =	vld [tilespmem:s14+$0x40]  }
0xa3: {  	v1 =	vld [tilespmem:s13+$0x440];
	_ =	sdelay $0x1  }
0xa4: {  	v2 =	vld [tilespmem:s30+$0x840];
	_ =	sdelay $0x2  }
0xa5: {  	v0 =	vadd.f32 v1, v0;
	_ =	sdelay $0x1  }
0xa6: {  	v0 =	vadd.f32 v2, v0;
	_ =	sdelay $0x1  }
0xa7: {  	[tilespmem:s2+$0x0] =	vst v0  }
0xa8: {  	v0 =	vld [tilespmem:s14+$0x50]  }
0xa9: {  	v1 =	vld [tilespmem:s13+$0x450]  }
0xaa: {  	v2 =	vld [tilespmem:s30+$0x850];
	_ =	sdelay $0x3  }
0xab: {  	v0 =	vadd.f32 v1, v0;
	_ =	sdelay $0x1  }
0xac: {  	v0 =	vadd.f32 v2, v0;
	_ =	sdelay $0x1  }
0xad: {  	[tilespmem:s2+$0x10] =	vst v0  }
0xae: {  	v0 =	vld [tilespmem:s14+$0x60]  }
0xaf: {  	v1 =	vld [tilespmem:s13+$0x460]  }
0xb0: {  	v2 =	vld [tilespmem:s30+$0x860];
	_ =	sdelay $0x3  }
0xb1: {  	s16 =	sadd.s32 s0, s19;
	v0 =	vadd.f32 v1, v0  }
0xb2: {  	p2 =	slt.s32 s16, $0x3B  }
.Ltmp3:
0xb3: {  	s16 =	simm.s32 @!p2 $0x3B;
	v0 =	vadd.f32 v2, v0;
	(pc) =	sbr.rel @p1 .LBB2_3-.Ltmp3, $4  }
0xb4: {  	s0 =	smulhi.u32 $0xAAAAAAAB, s16;
	s17 =	sand.u32 $0x1, s16  }
0xb5: {  	[tilespmem:s2+$0x20] =	vst v0  }
0xb6: {  	s18 =	sshrl.u32 s0, $0x3;
	s15 =	sshll.u32 s0, $0x4;
	v0 =	vld [tilespmem:s14+$0x70]  }
0xb7: {  	s14 =	smul.u32 $0xFFFFFFF4, s18;
	v1 =	vld [tilespmem:s13+$0x470]  }
0xb8: {  	_ = 	snop  }
0xb9: {  	v2 =	vld [tilespmem:s30+$0x870];
	s0 =	sadd.s32 s16, s14  }
0xba: {  	p2 =	seq.s32 s17, $0x1;
	p1 =	slt.s32 s0, $0x1  }
0xbb: {  	s13 =	sshrl.u32 s0, $0x1F;
	p1 =	por !p1, !p2  }
0xbc: {  	s14 =	simm.s32 $0x1;
	s13 =	sadd.s32 s13, s0;
	p1 =	por !p1, !p1;
	v0 =	vadd.f32 v1, v0  }
0xbd: {  	s13 =	sshra.s32 s13, $0x1;
	s14 =	simm.s32 @!p1 $0x0  }
0xbe: {  	s13 =	ssub.s32 s13, s14;
	v0 =	vadd.f32 v2, v0  }
0xbf: {  	s14 =	sshll.u32 s13, $0x9  }
0xc0: {  	s14 =	sshra.s32 s14, $0x2;
	[tilespmem:s4+$0x30] =	vst v0  }
0xc1: {  	s15 =	sand.u32 $0x3FFFFF80, s15;
	v0 =	vld [tilespmem:s14+$0x400]  }
0xc2: {  	s0 =	sshll.u32 s0, $0x7;
	s13 =	sshll.u32 s13, $0x8;
	v48 =	vld [tilespmem:s15+$0x0]  }
0xc3: {  	s0 =	ssub.s32 s0, s13  }
0xc4: {  	v49 =	vld [tilespmem:s0+$0x800];
	_ =	sdelay $0x2  }
0xc5: {  	v0 =	vadd.f32 v0, v48;
	_ =	sdelay $0x1  }
0xc6: {  	v0 =	vadd.f32 v49, v0  }
0xc7: {  	s2 =	sadd.s32 $0x80, s2  }
0xc8: {  	[tilespmem:s2+$0xFFFFFFC0] =	vst v0  }
0xc9: {  	v0 =	vld [tilespmem:s15+$0x10]  }
0xca: {  	v50 =	vld [tilespmem:s14+$0x410];
	_ =	sdelay $0x1  }
0xcb: {  	v51 =	vld [tilespmem:s0+$0x810];
	_ =	sdelay $0x2  }
0xcc: {  	v0 =	vadd.f32 v50, v0;
	_ =	sdelay $0x1  }
0xcd: {  	v0 =	vadd.f32 v51, v0;
	_ =	sdelay $0x1  }
0xce: {  	[tilespmem:s2+$0xFFFFFFD0] =	vst v0  }
0xcf: {  	v0 =	vld [tilespmem:s15+$0x20]  }
0xd0: {  	v52 =	vld [tilespmem:s14+$0x420];
	_ =	sdelay $0x1  }
0xd1: {  	v53 =	vld [tilespmem:s0+$0x820];
	_ =	sdelay $0x2  }
0xd2: {  	v0 =	vadd.f32 v52, v0;
	_ =	sdelay $0x1  }
0xd3: {  	v0 =	vadd.f32 v53, v0;
	_ =	sdelay $0x1  }
0xd4: {  	[tilespmem:s2+$0xFFFFFFE0] =	vst v0  }
0xd5: {  	v0 =	vld [tilespmem:s15+$0x30]  }
0xd6: {  	v54 =	vld [tilespmem:s14+$0x430];
	_ =	sdelay $0x1  }
0xd7: {  	v55 =	vld [tilespmem:s0+$0x830];
	_ =	sdelay $0x2  }
0xd8: {  	v0 =	vadd.f32 v54, v0;
	_ =	sdelay $0x1  }
0xd9: {  	v0 =	vadd.f32 v55, v0;
	_ =	sdelay $0x1  }
0xda: {  	[tilespmem:s2+$0xFFFFFFF0] =	vst v0  }
0xdb: {  	v0 =	vld [tilespmem:s15+$0x40]  }
0xdc: {  	v56 =	vld [tilespmem:s14+$0x440];
	_ =	sdelay $0x1  }
0xdd: {  	v57 =	vld [tilespmem:s0+$0x840];
	_ =	sdelay $0x2  }
0xde: {  	v0 =	vadd.f32 v56, v0;
	_ =	sdelay $0x1  }
0xdf: {  	v0 =	vadd.f32 v57, v0;
	_ =	sdelay $0x1  }
0xe0: {  	[tilespmem:s2+$0x0] =	vst v0  }
0xe1: {  	v0 =	vld [tilespmem:s15+$0x50]  }
0xe2: {  	v58 =	vld [tilespmem:s14+$0x450];
	_ =	sdelay $0x1  }
0xe3: {  	v59 =	vld [tilespmem:s0+$0x850];
	_ =	sdelay $0x2  }
0xe4: {  	v0 =	vadd.f32 v58, v0;
	_ =	sdelay $0x1  }
0xe5: {  	v0 =	vadd.f32 v59, v0;
	_ =	sdelay $0x1  }
0xe6: {  	[tilespmem:s2+$0x10] =	vst v0  }
0xe7: {  	v0 =	vld [tilespmem:s15+$0x60]  }
0xe8: {  	v60 =	vld [tilespmem:s14+$0x460];
	_ =	sdelay $0x1  }
0xe9: {  	v61 =	vld [tilespmem:s0+$0x860];
	_ =	sdelay $0x2  }
0xea: {  	v0 =	vadd.f32 v60, v0;
	_ =	sdelay $0x1  }
0xeb: {  	v0 =	vadd.f32 v61, v0;
	_ =	sdelay $0x1  }
0xec: {  	[tilespmem:s2+$0x20] =	vst v0  }
0xed: {  	v0 =	vld [tilespmem:s15+$0x70]  }
0xee: {  	v62 =	vld [tilespmem:s14+$0x470];
	_ =	sdelay $0x1  }
0xef: {  	v63 =	vld [tilespmem:s0+$0x870];
	_ =	sdelay $0x2  }
0xf0: {  	v0 =	vadd.f32 v62, v0;
	_ =	sdelay $0x1  }
0xf1: {  	v0 =	vadd.f32 v63, v0;
	_ =	sdelay $0x1  }
0xf2: {  	s17 =	simm.s32 $0x900;
	s18 =	simm.s32 $0x8;
	s16 =	rddreg [dreg:$0xd];
	[tilespmem:s2+$0x30] =	vst v0  }
0xf3: {  	[spmem:s16] =	stream.linear.scatter [tilespmem:s17], [sflag:$0x8], $0x400, $0x38;
	[tilespmem:$0x1AF00] =	vst v63  }
0xf4: {  	_ =	swait.ge [sflag:s18], $0x400  }
0xf5: {  	s16 =	rddreg [dreg:$0x7]  }
0xf6: {  	s17 =	rddreg [dreg:$0x8]  }
0xf7: {  	s30 =	rddreg [dreg:$0xa]  }
0xf8: {  	[sflag:s18] =	ssyncset.done $0x0;
	s31 =	rddreg [dreg:$0xb]  }
0xf9: {  	[sflag:s18] =	ssyncadd.s32 $0xFFFFFC00;
	s18 =	rddreg [dreg:$0x9]  }
.LBB2_5:
0xfa: {  	_ =	swait.ge [sflag:s3], $0x190  }
0xfb: {  	[sflag:s3] =	ssyncset.done $0x0  }
0xfc: {  	[sflag:s3] =	ssyncadd.s32 $0xFFFFFE70  }
0xfd: {  	_ =	swait.ge [sflag:s3], $0x190  }
0xfe: {  	[sflag:s3] =	ssyncset.done $0x0  }
0xff: {  	[sflag:s3] =	ssyncadd.s32 $0xFFFFFE70  }
0x100: {  	_ =	swait.ge [sflag:s3], $0x190  }
0x101: {  	[sflag:s3] =	ssyncset.done $0x0  }
0x102: {  	s0 =	simm.s32 $0x0;
	[sflag:s3] =	ssyncadd.s32 $0xFFFFFE70  }
0x103: {  	v0 =	vld [tilespmem:s0+$0xF00]  }
0x104: {  	v1 =	vld [tilespmem:s0+$0x1300];
	_ =	sdelay $0x1  }
0x105: {  	s2 =	simm.s32 $0x40;
	v2 =	vld [tilespmem:s0+$0x1700]  }
.LBB2_6:
0x106: {  	p1 =	sne.s32 s2, $0x600  }
.Ltmp4:
0x107: {  	s4 =	sshra.s32 s2, $0x2;
	s2 =	sadd.s32 $0x40, s2;
	v3 =	vmul.u32 $0xC, v0;
	(pc) =	sbr.rel @p1 .LBB2_6-.Ltmp4, $4  }
0x108: {  	v0 =	vld [tilespmem:s4+$0xF00];
	v4 =	vshll.u32 v1, $0x1  }
0x109: {  	v1 =	vld [tilespmem:s4+$0x1300];
	v3 =	vadd.s32 v3, v4  }
0x10a: {  	v3 =	vadd.s32 v2, v3  }
0x10b: {  	v2 =	vld [tilespmem:s4+$0x1700];
	[tilespmem:s0+$0x1B00] =	vst v3;
	s0 =	smov.u32 s4  }
0x10c: {  	_ = 	snop  }
0x10d: {  	v0 =	vmul.u32 $0xC, v0  }
0x10e: {  	v1 =	vshll.u32 v1, $0x1  }
0x10f: {  	v0 =	vadd.s32 v0, v1  }
0x110: {  	v0 =	vadd.s32 v2, v0  }
0x111: {  	[tilespmem:s0+$0x1B00] =	vst v0  }
0x112: {  	s14 =	simm.s32 $0x1B00;
	[bflag:$0x0] =	sbarrier.arrive $0xFFFF  }
0x113: {  	[tilespmem:s20], [sflag:$0x5] =	stream.indirect.gather [spmem:s7], $0x80, s14, s5, $0xb8;
	[tilespmem:$0x1AF00] =	vst v63  }
0x114: {  	s15 =	simm.s32 $0x1B50;
	s2 =	simm.s32 $0x4700  }
0x115: {  	[tilespmem:s2], [sflag:$0x5] =	stream.indirect.gather [spmem:s7], $0x80, s15, s5, $0xb8;
	[tilespmem:$0x1AF00] =	vst v63  }
0x116: {  	s4 =	simm.s32 $0x6F00;
	s2 =	simm.s32 $0x1BA0  }
0x117: {  	[tilespmem:s4], [sflag:$0x5] =	stream.indirect.gather [spmem:s7], $0x80, s2, s5, $0xb8;
	[tilespmem:$0x1AF00] =	vst v63  }
0x118: {  	s13 =	simm.s32 $0x1BF0;
	s14 =	simm.s32 $0x9700  }
0x119: {  	[tilespmem:s14], [sflag:$0x5] =	stream.indirect.gather [spmem:s7], $0x80, s13, s5, $0xb8;
	[tilespmem:$0x1AF00] =	vst v63  }
0x11a: {  	s15 =	simm.s32 $0x1C40;
	s2 =	simm.s32 $0x0  }
0x11b: {  	[tilespmem:s23], [sflag:$0x5] =	stream.indirect.gather [spmem:s7], $0x80, s15, s5, $0xb8;
	[tilespmem:$0x1AF00] =	vst v63  }
.LBB2_8:
0x11c: {  	_ =	swait.ge [sflag:s24], $0x190  }
0x11d: {  	[sflag:s24] =	ssyncset.done $0x0  }
0x11e: {  	[sflag:s24] =	ssyncadd.s32 $0xFFFFFE70  }
0x11f: {  	_ =	swait.ge [sflag:s24], $0x190  }
0x120: {  	[sflag:s24] =	ssyncset.done $0x0  }
0x121: {  	[sflag:s24] =	ssyncadd.s32 $0xFFFFFE70  }
0x122: {  	_ =	swait.ge [sflag:s24], $0x190  }
0x123: {  	[sflag:s24] =	ssyncset.done $0x0  }
0x124: {  	s0 =	simm.s32 $0x0;
	[sflag:s24] =	ssyncadd.s32 $0xFFFFFE70  }
0x125: {  	v0 =	vld [tilespmem:s0+$0x1100]  }
0x126: {  	v1 =	vld [tilespmem:s0+$0x1500];
	_ =	sdelay $0x1  }
0x127: {  	s4 =	simm.s32 $0x40;
	v2 =	vld [tilespmem:s0+$0x1900]  }
.LBB2_9:
0x128: {  	p1 =	sne.s32 s4, $0x600  }
.Ltmp5:
0x129: {  	s13 =	sshra.s32 s4, $0x2;
	s4 =	sadd.s32 $0x40, s4;
	v3 =	vmul.u32 $0xC, v0;
	(pc) =	sbr.rel @p1 .LBB2_9-.Ltmp5, $4  }
0x12a: {  	v0 =	vld [tilespmem:s13+$0x1100];
	v4 =	vshll.u32 v1, $0x1  }
0x12b: {  	v1 =	vld [tilespmem:s13+$0x1500];
	v3 =	vadd.s32 v3, v4  }
0x12c: {  	v3 =	vadd.s32 v2, v3  }
0x12d: {  	v2 =	vld [tilespmem:s13+$0x1900];
	[tilespmem:s0+$0x1D00] =	vst v3;
	s0 =	smov.u32 s13  }
0x12e: {  	_ = 	snop  }
0x12f: {  	v0 =	vmul.u32 $0xC, v0  }
0x130: {  	v1 =	vshll.u32 v1, $0x1  }
0x131: {  	v0 =	vadd.s32 v0, v1  }
0x132: {  	p1 =	seq.s32 s2, $0x0;
	v0 =	vadd.s32 v2, v0  }
0x133: {  	[tilespmem:s0+$0x1D00] =	vst v0;
	s0 =	simm.s32 @!p1 $0x4  }
0x134: {  	_ =	swait.ge @!p1 [sflag:s0], $0xC800  }
0x135: {  	[sflag:s0] =	ssyncset.done @!p1 $0x0  }
0x136: {  	s4 =	simm.s32 $0x1D00;
	[sflag:s0] =	ssyncadd.s32 @!p1 $0xFFFF3800  }
0x137: {  	[tilespmem:s29], [sflag:$0x6] =	stream.indirect.gather [spmem:s7], $0x80, s4, s5, $0xb8;
	[tilespmem:$0x1AF00] =	vst v63  }
0x138: {  	s13 =	simm.s32 $0x1D50;
	s4 =	simm.s32 $0x10F00  }
0x139: {  	[tilespmem:s4], [sflag:$0x6] =	stream.indirect.gather [spmem:s7], $0x80, s13, s5, $0xb8;
	[tilespmem:$0x1AF00] =	vst v63  }
0x13a: {  	s14 =	simm.s32 $0x1DA0;
	s15 =	simm.s32 $0x13700  }
0x13b: {  	[tilespmem:s15], [sflag:$0x6] =	stream.indirect.gather [spmem:s7], $0x80, s14, s5, $0xb8;
	[tilespmem:$0x1AF00] =	vst v63  }
0x13c: {  	s4 =	simm.s32 $0x1DF0;
	s13 =	simm.s32 $0x15F00  }
0x13d: {  	[tilespmem:s13], [sflag:$0x6] =	stream.indirect.gather [spmem:s7], $0x80, s4, s5, $0xb8;
	[tilespmem:$0x1AF00] =	vst v63  }
0x13e: {  	s14 =	simm.s32 $0x1E40;
	s15 =	simm.s32 $0x18700  }
0x13f: {  	[tilespmem:s15], [sflag:$0x6] =	stream.indirect.gather [spmem:s7], $0x80, s14, s5, $0xb8;
	[tilespmem:$0x1AF00] =	vst v63  }
0x140: {  	_ =	swait.ge [sflag:s25], $0x2800  }
0x141: {  	[sflag:s25] =	ssyncset.done $0x0  }
0x142: {  	[sflag:s25] =	ssyncadd.s32 $0xFFFFD800  }
0x143: {  	_ =	swait.ge [sflag:s25], $0x2800  }
0x144: {  	[sflag:s25] =	ssyncset.done $0x0  }
0x145: {  	[sflag:s25] =	ssyncadd.s32 $0xFFFFD800  }
0x146: {  	_ =	swait.ge [sflag:s25], $0x2800  }
0x147: {  	[sflag:s25] =	ssyncset.done $0x0  }
0x148: {  	[sflag:s25] =	ssyncadd.s32 $0xFFFFD800  }
0x149: {  	_ =	swait.ge [sflag:s25], $0x2800  }
0x14a: {  	s0 =	smul.u32 $0x320, s2;
	[sflag:s25] =	ssyncset.done $0x0  }
0x14b: {  	[sflag:s25] =	ssyncadd.s32 $0xFFFFD800  }
0x14c: {  	s13 =	sadd.s32 s9, s0;
	_ =	swait.ge [sflag:s25], $0x2800  }
0x14d: {  	s4 =	sshll.u32 s13, $0x4;
	s13 =	simm.s32 $0x0;
	[sflag:s25] =	ssyncset.done $0x0  }
0x14e: {  	s4 =	sadd.s32 s6, s4;
	s14 =	sadd.s32 s0, s21;
	[sflag:s25] =	ssyncadd.s32 $0xFFFFD800  }
0x14f: {  	[hbm4b:s4+s13] =	stream.linear.scatter [tilespmem:s20], [sflag:$0x3], $0xC800, $0x38;
	[tilespmem:$0x1AF00] =	vst v63  }
0x150: {  	s4 =	sshrl.u32 s14, $0x3  }
0x151: {  	s15 =	simm.s32 $0xF00;
	s14 =	sadd.s32 s10, s4  }
0x152: {  	[tilespmem:s15], [sflag:$0x1] =	stream.linear.gather [hbm4b:s14+s13], $0x190, $0x38;
	[tilespmem:$0x1AF00] =	vst v63  }
0x153: {  	s14 =	sadd.s32 s11, s4;
	s15 =	simm.s32 $0x1300  }
0x154: {  	[tilespmem:s15], [sflag:$0x1] =	stream.linear.gather [hbm4b:s14+s13], $0x190, $0x38;
	[tilespmem:$0x1AF00] =	vst v63  }
0x155: {  	s4 =	sadd.s32 s1, s4;
	s15 =	simm.s32 $0x1700  }
0x156: {  	[tilespmem:s15], [sflag:$0x1] =	stream.linear.gather [hbm4b:s4+s13], $0x190, $0x38;
	[tilespmem:$0x1AF00] =	vst v63  }
0x157: {  	_ =	swait.ge [sflag:s3], $0x190  }
0x158: {  	[sflag:s3] =	ssyncset.done $0x0  }
0x159: {  	[sflag:s3] =	ssyncadd.s32 $0xFFFFFE70  }
0x15a: {  	_ =	swait.ge [sflag:s3], $0x190  }
0x15b: {  	[sflag:s3] =	ssyncset.done $0x0  }
0x15c: {  	[sflag:s3] =	ssyncadd.s32 $0xFFFFFE70  }
0x15d: {  	_ =	swait.ge [sflag:s3], $0x190  }
0x15e: {  	[sflag:s3] =	ssyncset.done $0x0  }
0x15f: {  	s4 =	simm.s32 $0x0;
	[sflag:s3] =	ssyncadd.s32 $0xFFFFFE70  }
0x160: {  	v0 =	vld [tilespmem:s4+$0xF00]  }
0x161: {  	v1 =	vld [tilespmem:s4+$0x1300];
	_ =	sdelay $0x1  }
0x162: {  	s13 =	simm.s32 $0x40;
	v2 =	vld [tilespmem:s4+$0x1700]  }
.LBB2_11:
0x163: {  	p1 =	sne.s32 s13, $0x600  }
.Ltmp6:
0x164: {  	s14 =	sshra.s32 s13, $0x2;
	s13 =	sadd.s32 $0x40, s13;
	v3 =	vmul.u32 $0xC, v0;
	(pc) =	sbr.rel @p1 .LBB2_11-.Ltmp6, $4  }
0x165: {  	v0 =	vld [tilespmem:s14+$0xF00];
	v4 =	vshll.u32 v1, $0x1  }
0x166: {  	v1 =	vld [tilespmem:s14+$0x1300];
	v3 =	vadd.s32 v3, v4  }
0x167: {  	v3 =	vadd.s32 v2, v3  }
0x168: {  	v2 =	vld [tilespmem:s14+$0x1700];
	[tilespmem:s4+$0x1B00] =	vst v3;
	s4 =	smov.u32 s14  }
0x169: {  	_ = 	snop  }
0x16a: {  	v0 =	vmul.u32 $0xC, v0  }
0x16b: {  	v1 =	vshll.u32 v1, $0x1  }
0x16c: {  	v0 =	vadd.s32 v0, v1  }
0x16d: {  	v0 =	vadd.s32 v2, v0  }
0x16e: {  	[tilespmem:s4+$0x1B00] =	vst v0  }
0x16f: {  	_ =	swait.ge [sflag:s26], $0xC800  }
0x170: {  	[sflag:s26] =	ssyncset.done $0x0  }
0x171: {  	s14 =	simm.s32 $0x1B00;
	[sflag:s26] =	ssyncadd.s32 $0xFFFF3800  }
0x172: {  	[tilespmem:s20], [sflag:$0x5] =	stream.indirect.gather [spmem:s7], $0x80, s14, s5, $0xb8;
	[tilespmem:$0x1AF00] =	vst v63  }
0x173: {  	s15 =	simm.s32 $0x1B50;
	s13 =	simm.s32 $0x4700  }
0x174: {  	[tilespmem:s13], [sflag:$0x5] =	stream.indirect.gather [spmem:s7], $0x80, s15, s5, $0xb8;
	[tilespmem:$0x1AF00] =	vst v63  }
0x175: {  	s14 =	simm.s32 $0x1BA0;
	s15 =	simm.s32 $0x6F00  }
0x176: {  	[tilespmem:s15], [sflag:$0x5] =	stream.indirect.gather [spmem:s7], $0x80, s14, s5, $0xb8;
	[tilespmem:$0x1AF00] =	vst v63  }
0x177: {  	s14 =	simm.s32 $0x1BF0;
	s15 =	simm.s32 $0x9700  }
0x178: {  	[tilespmem:s15], [sflag:$0x5] =	stream.indirect.gather [spmem:s7], $0x80, s14, s5, $0xb8;
	[tilespmem:$0x1AF00] =	vst v63  }
0x179: {  	s14 =	simm.s32 $0x1C40  }
0x17a: {  	[tilespmem:s23], [sflag:$0x5] =	stream.indirect.gather [spmem:s7], $0x80, s14, s5, $0xb8;
	[tilespmem:$0x1AF00] =	vst v63  }
0x17b: {  	_ =	swait.ge [sflag:s28], $0x2800  }
0x17c: {  	[sflag:s28] =	ssyncset.done $0x0  }
0x17d: {  	[sflag:s28] =	ssyncadd.s32 $0xFFFFD800  }
0x17e: {  	_ =	swait.ge [sflag:s28], $0x2800  }
0x17f: {  	[sflag:s28] =	ssyncset.done $0x0  }
0x180: {  	[sflag:s28] =	ssyncadd.s32 $0xFFFFD800  }
0x181: {  	_ =	swait.ge [sflag:s28], $0x2800  }
0x182: {  	[sflag:s28] =	ssyncset.done $0x0  }
0x183: {  	[sflag:s28] =	ssyncadd.s32 $0xFFFFD800  }
0x184: {  	_ =	swait.ge [sflag:s28], $0x2800  }
0x185: {  	p1 =	seq.s32 s2, $0xB;
	[sflag:s28] =	ssyncset.done $0x0  }
.Ltmp7:
0x186: {  	[sflag:s28] =	ssyncadd.s32 $0xFFFFD800;
	(pc) =	sbr.rel @p1 .LBB2_14-.Ltmp7, $4  }
0x187: {  	s15 =	sadd.s32 s0, s12;
	_ =	swait.ge [sflag:s28], $0x2800  }
0x188: {  	s4 =	sshll.u32 s15, $0x4;
	[sflag:s28] =	ssyncset.done $0x0  }
0x189: {  	s4 =	sadd.s32 s6, s4;
	[sflag:s28] =	ssyncadd.s32 $0xFFFFD800  }
0x18a: {  	[hbm4b:s4+s8] =	stream.linear.scatter [tilespmem:s29], [sflag:$0x4], $0xC800, $0x38;
	[tilespmem:$0x1AF00] =	vst v63  }
0x18b: {  	s0 =	sadd.s32 s0, s22  }
0x18c: {  	s0 =	sshrl.u32 s0, $0x3  }
0x18d: {  	s13 =	simm.s32 $0x1100;
	s4 =	sadd.s32 s10, s0  }
0x18e: {  	[tilespmem:s13], [sflag:$0x2] =	stream.linear.gather [hbm4b:s4+s8], $0x190, $0x38;
	[tilespmem:$0x1AF00] =	vst v63  }
.Ltmp8:
0x18f: {  	_ = 	snop;
	(pc) =	sbr.rel .LBB2_8-.Ltmp8, $4  }
0x190: {  	s14 =	simm.s32 $0x1500;
	s13 =	sadd.s32 s11, s0  }
0x191: {  	[tilespmem:s14], [sflag:$0x2] =	stream.linear.gather [hbm4b:s13+s8], $0x190, $0x38;
	[tilespmem:$0x1AF00] =	vst v63  }
0x192: {  	s15 =	simm.s32 $0x1900;
	s2 =	sadd.s32 $0x1, s2;
	s0 =	sadd.s32 s1, s0  }
0x193: {  	[tilespmem:s15], [sflag:$0x2] =	stream.linear.gather [hbm4b:s0+s8], $0x190, $0x38;
	[tilespmem:$0x1AF00] =	vst v63  }
.LBB2_15:
0x194: {  	_ =	sfence.sel $0x180000  }
0x195: {  	[bflag:$0x0] =	sbarrier.arrive $0xFFFF  }
0x196: {  	_ =	strace $0x90000047  }
0x197: {  	s0 =	stileid.u32;
	[bflag:$0x2] =	sbarrier.arrive $0xFFFF  }
0x198: {  	p0 =	sne.s32 s0, $0x0;
	s0 =	rddreg [dreg:$0x6]  }
0x199: {  	s0 =	sadd.s32 @!p0 $0x100000, s0  }
0x19a: {  	[sflag:s0] =	ssyncadd.tile.s32 @!p0 $0x1;
	_ =	shalt  }
.Lfunc_end2:
_tile_overlayer_lowered:
.L_overlay_start_2:
0x19b: {  	(tag) =	ssettag $0x2  }
0x19c: {  	s0 =	rddreg [dreg:$0x0];
	s2 =	stileid.u32  }
0x19d: {  	s1 =	rddreg [dreg:$0x1];
	p0 =	sne.s32 s2, $0x0  }
0x19e: {  	s3 =	rddreg [dreg:$0x2];
	[bflag:$0x3] =	sbarrier.arrive $0xFFFF;
	s2 =	simm.s32 @!p0 $0x1C08  }
0x19f: {  	[timem:s3], [sflag:s2] =	dma.local @!p0 [hbm:s0], s1  }
0x1a0: {  	s0 =	simm.s32 @!p0 $0x8  }
0x1a1: {  	_ =	swait.ge @!p0 [sflag:s0], s1  }
0x1a2: {  	s1 =	ssub.s32 @!p0 $0x0, s1;
	[sflag:s0] =	ssyncset.done @!p0 $0x0  }
0x1a3: {  	[sflag:s0] =	ssyncadd.s32 @!p0 s1  }
0x1a4: {  	[bflag:$0x3] =	sbarrier.arrive $0xFFFF  }
0x1a5: {  	_ =	shalt  }

</sc_bundles>
